<compile_context>
chip_gen: v7x
topology: tpu7x:2x2x1
jax: 0.10.2.dev20260603
libtpu: 0.0.44.dev20260713+nightly
codegen_flags: <defaults>
</compile_context>

<pallas_src>
import functools

import jax
import jax.numpy as jnp
from jax import lax
from jax.experimental import pallas as pl
from jax.experimental.pallas import tpu as pltpu
from jax.experimental.pallas import tpu_sc as plsc

TAG = 2
PACK = 64
KBLK = 128


def _proj_body(t_ref, w_ref, b_ref, o_ref):
    @pl.when(pl.program_id(0) == 0)
    def _():
        o_ref[...] = jnp.broadcast_to(b_ref[...], o_ref.shape)

    o_ref[...] += jnp.dot(
        t_ref[...], w_ref[...], preferred_element_type=jnp.float32
    )


def _project(t2048, w2, b128):
    rows, kdim = t2048.shape
    return pl.pallas_call(
        _proj_body,
        grid=(kdim // KBLK,),
        in_specs=[
            pl.BlockSpec((rows, KBLK), lambda j: (0, j)),
            pl.BlockSpec((KBLK, TAG * PACK), lambda j: (j, 0)),
            pl.BlockSpec((1, TAG * PACK), lambda j: (0, 0)),
        ],
        out_specs=pl.BlockSpec((rows, TAG * PACK), lambda j: (0, 0)),
        out_shape=jax.ShapeDtypeStruct((rows, TAG * PACK), jnp.float32),
    )(t2048, w2, b128)


@functools.lru_cache(maxsize=4)
def _make_gather(n):
    info = plsc.get_sparse_core_info()
    nc, ns = info.num_cores, info.num_subcores
    nw = nc * ns
    assert n % nw == 0
    n_per_w = n // nw
    chunk = 3200
    assert n_per_w % chunk == 0
    n_chunks = n_per_w // chunk
    mesh = plsc.VectorSubcoreMesh(core_axis_name="c", subcore_axis_name="s")

    @functools.partial(
        pl.kernel,
        mesh=mesh,
        compiler_params=pltpu.CompilerParams(
            use_tc_tiling_on_sc=False, needs_layout_passes=False),
        out_type=jax.ShapeDtypeStruct((TAG * n,), jnp.float32),
        scratch_types=[
            pltpu.VMEM((n_per_w,), jnp.int32),
            pltpu.VMEM((2, chunk), jnp.int32),
            pltpu.VMEM((2, chunk, 8), jnp.float32),
            pltpu.VMEM((2, TAG * chunk), jnp.float32),
            pltpu.SemaphoreType.DMA,
            pltpu.SemaphoreType.DMA,
        ],
    )
    def gather(p_hbm, idx_hbm, out_hbm, idx_v, idxr_v, rows_v, flat_v,
               gsem, osem):
        wid = lax.axis_index("s") * nc + lax.axis_index("c")
        base = wid * n_per_w
        pltpu.sync_copy(idx_hbm.at[pl.ds(base, n_per_w)], idx_v)
        iota = lax.iota(jnp.int32, 16)

        def rows_of(j, buf):
            idxr = idxr_v.at[buf]

            def body(g, carry):
                xv = idx_v[pl.ds(j * chunk + g * 16, 16)]
                idxr[pl.ds(g * 16, 16)] = lax.shift_right_logical(xv, 2)
                return carry

            lax.fori_loop(0, chunk // 16, body, 0)

        def extract(j, buf):
            rows = rows_v.at[buf]
            flat = flat_v.at[buf]

            def body(g, carry):
                tok = g * 8 + lax.shift_right_logical(iota, 1)
                xi = plsc.load_gather(idx_v, [j * chunk + tok])
                col = lax.shift_left(xi & 3, 1) + (iota & 1)
                flat[pl.ds(g * 16, 16)] = plsc.load_gather(rows, [tok, col])
                return carry

            lax.fori_loop(0, TAG * chunk // 16, body, 0)

        pending = []
        for j in range(n_chunks):
            buf = j % 2
            rows_of(j, buf)
            gcp = pltpu.async_copy(
                p_hbm.at[idxr_v.at[buf]], rows_v.at[buf], gsem)
            if j > 0:
                extract(j - 1, 1 - buf)
                if pending:
                    pending.pop(0).wait()
                pending.append(pltpu.async_copy(
                    flat_v.at[1 - buf],
                    out_hbm.at[pl.ds(TAG * (base + (j - 1) * chunk),
                                     TAG * chunk)],
                    osem))
            gcp.wait()
        last = (n_chunks - 1) % 2
        extract(n_chunks - 1, last)
        while pending:
            pending.pop(0).wait()
        pltpu.sync_copy(
            flat_v.at[last],
            out_hbm.at[pl.ds(TAG * (base + (n_chunks - 1) * chunk),
                             TAG * chunk)])

    return gather


def kernel(x, table, W, b):
    bsz, seq = x.shape
    vocab, embed = table.shape
    wt = W.T.astype(jnp.float32)
    w2 = jax.scipy.linalg.block_diag(*([wt] * PACK))
    b128 = jnp.tile(b.astype(jnp.float32), PACK).reshape(1, TAG * PACK)
    t2048 = table.reshape(vocab // PACK, embed * PACK)
    pwide = _project(t2048, w2, b128)
    p8 = pwide.reshape(vocab // 4, 8)
    idx = x.reshape(-1).astype(jnp.int32)
    out = _make_gather(idx.shape[0])(p8, idx)
    out2 = jax.lax.optimization_barrier(out.reshape(bsz, seq * TAG))
    return out2.reshape(bsz, seq, TAG)

# --- scband reference (transcript-rebuilt; emitter-appended) ---
"""Pipeline reference for scband-logistic-regression-71975061946453 (READ-ONLY COPY).

The authoritative reference and input builder live on the scoring server;
editing this copy changes nothing except your own understanding.
"""

import jax, jax.numpy as jnp
import numpy as np

VOCAB = 1000000
EMBED_DIM = 32
TAG_DIM = 2
B = 16384
L = 50

def setup_inputs(seed: int = 0) -> dict:
    key = jax.random.key(seed)
    k1, k2, k3, k4 = jax.random.split(key, 4)
    x = jax.random.randint(k1, (B, L), 0, VOCAB, dtype=jnp.int64) if jax.config.jax_enable_x64 else jax.random.randint(k1, (B, L), 0, VOCAB, dtype=jnp.int32)
    table = jax.random.normal(k2, (VOCAB, EMBED_DIM), dtype=jnp.float32)
    # nn.Linear: weight [tag_dim, embed_dim], bias [tag_dim]
    bound = 1.0 / np.sqrt(EMBED_DIM)
    W = jax.random.uniform(k3, (TAG_DIM, EMBED_DIM), dtype=jnp.float32, minval=-bound, maxval=bound)
    b = jax.random.uniform(k4, (TAG_DIM,), dtype=jnp.float32, minval=-bound, maxval=bound)
    return {"x": x, "table": table, "W": W, "b": b}

def reference(x, table, W, b):
    embeds = jnp.take(table, x, axis=0)  # [B, L, embed_dim]
    out = jnp.einsum('ble,te->blt', embeds, W) + b  # [B, L, tag_dim]
    return out

if __name__ == "__main__":
    import jax
    _d = setup_inputs()
    print(jax.jit(kernel)(*tuple(_d.values())))

</pallas_src>

<mosaic_0001>
#map = affine_map<(d0, d1) -> (0, 0)>
#map1 = affine_map<(d0, d1) -> (0)>
module attributes {stable_mosaic.version = 14 : i64} {
  func.func @gather(%arg0: i32, %arg1: i32, %arg2: memref<250000x8xf32, #tpu.memory_space<hbm>>, %arg3: memref<819200xi32, #tpu.memory_space<hbm>>, %arg4: memref<1638400xf32, #tpu.memory_space<hbm>>, %arg5: memref<25600xi32, #tpu.memory_space<vmem>>, %arg6: memref<2x3200xi32, #tpu.memory_space<vmem>>, %arg7: memref<2x3200x8xf32, #tpu.memory_space<vmem>>, %arg8: memref<2x6400xf32, #tpu.memory_space<vmem>>, %arg9: memref<!tpu.dma_semaphore, #tpu.memory_space<semaphore_mem>>, %arg10: memref<!tpu.dma_semaphore, #tpu.memory_space<semaphore_mem>>) attributes {dimension_semantics = [#tpu.dimension_semantics<core_parallel>, #tpu.dimension_semantics<subcore_parallel>], iteration_bounds = array<i64: 2, 16>, scalar_prefetch = 0 : i64, scratch_operands = 6 : i64, tpu.core_type = #tpu.core_type<sc_vector_subcore>, window_params = [{transform_indices = #map}, {transform_indices = #map1}, {transform_indices = #map1}]} {
    %mul3A = arith.constant 2 : i32
    %mul3A_0 = arith.muli %arg1, %mul3A : i32
    %add3A = arith.addi %mul3A_0, %arg0 : i32
    %mul3A_1 = arith.constant 25600 : i32
    %mul3A_2 = arith.muli %add3A, %mul3A_1 : i32
    "tpu.region"() ({
      %run_scoped3A_470 = tpu.sem_alloc : memref<!tpu.dma_semaphore, #tpu.memory_space<semaphore_mem>>
      %dma_start3A_471 = tpu.memref_slice %arg3[%mul3A_2] : memref<819200xi32, #tpu.memory_space<hbm>> -> memref<25600xi32, #tpu.memory_space<hbm>>
      %dma_start3A_472 = tpu.memref_slice %arg3[%mul3A_2] : memref<819200xi32, #tpu.memory_space<hbm>> -> memref<25600xi32, #tpu.memory_space<hbm>>
      tpu.enqueue_dma source(%dma_start3A_472 : memref<25600xi32, #tpu.memory_space<hbm>>) target(%arg5 : memref<25600xi32, #tpu.memory_space<vmem>>) target_semaphore(%run_scoped3A_470 : memref<!tpu.dma_semaphore, #tpu.memory_space<semaphore_mem>>)
      %dma_wait3A_473 = tpu.memref_slice %arg3[%mul3A_2] : memref<819200xi32, #tpu.memory_space<hbm>> -> memref<25600xi32, #tpu.memory_space<hbm>>
      %dma_wait3A_474 = tpu.memref_slice %arg3[%mul3A_2] : memref<819200xi32, #tpu.memory_space<hbm>> -> memref<25600xi32, #tpu.memory_space<hbm>>
      tpu.wait_dma2 semaphore(%run_scoped3A_470 : memref<!tpu.dma_semaphore, #tpu.memory_space<semaphore_mem>>) src(%dma_wait3A_474 : memref<25600xi32, #tpu.memory_space<hbm>>) dst(%arg5 : memref<25600xi32, #tpu.memory_space<vmem>>)
      tpu.yield
    }) : () -> ()
    %iota3A = tpu.iota {dimensions = array<i32: 0>} : vector<16xi32>
    %scan3A = arith.constant 0 : i32
    %scan3A_3 = arith.constant 0 : i32
    %scan3A_4 = arith.constant 0 : i32
    %scan3A_5 = arith.constant 200 : i32
    %scan3A_6 = arith.addi %scan3A_4, %scan3A_5 : i32
    %scan3A_7 = arith.constant 1 : i32
    scf.for %scan3A_470 = %scan3A_4 to %scan3A_6 step %scan3A_7  : i32 {
      %mul3A_471 = arith.constant 16 : i32
      %mul3A_472 = arith.muli %scan3A_470, %mul3A_471 : i32
      %add3A_473 = arith.constant 0 : i32
      %add3A_474 = arith.addi %add3A_473, %mul3A_472 : i32
      %get3A = arith.index_cast %add3A_474 : i32 to index
      %get3A_475 = tpu.vector_load %arg5[%get3A] {strides = array<i32>} : memref<25600xi32, #tpu.memory_space<vmem>>, vector<16xi32>,
      %shift_right_logical3A = arith.constant 2 : i32
      %shift_right_logical3A_476 = vector.broadcast %shift_right_logical3A : i32 to vector<16xi32>
      %shift_right_logical3A_477 = arith.shrui %get3A_475, %shift_right_logical3A_476 : vector<16xi32>
      %mul3A_478 = arith.constant 16 : i32
      %mul3A_479 = arith.muli %scan3A_470, %mul3A_478 : i32
      %swap3A = arith.constant 0 : i32
      %swap3A_480 = tpu.memref_slice %arg6[%scan3A_3, %swap3A] : memref<2x3200xi32, #tpu.memory_space<vmem>> -> memref<1x3200xi32, #tpu.memory_space<vmem>>
      %swap3A_481 = tpu.memref_squeeze %swap3A_480 : memref<1x3200xi32, #tpu.memory_space<vmem>> -> memref<3200xi32, #tpu.memory_space<vmem>>
      %swap3A_482 = arith.index_cast %mul3A_479 : i32 to index
      %swap3A_483 = tpu.vector_load %swap3A_481[%swap3A_482] {strides = array<i32>} : memref<3200xi32, #tpu.memory_space<vmem>>, vector<16xi32>,
      tpu.vector_store %swap3A_481[%swap3A_482], %shift_right_logical3A_477 {strides = array<i32>} : memref<3200xi32, #tpu.memory_space<vmem>>, vector<16xi32>,
    }
    %scan3A_8 = arith.constant 200 : i32
    %dma_start3A = arith.constant 0 : i32
    %dma_start3A_9 = arith.constant 0 : i32
    %dma_start3A_10 = arith.constant 0 : i32
    %dma_start3A_11 = arith.constant 0 : i32
    %dma_start3A_12 = tpu.memref_slice %arg7[%dma_start3A_9, %dma_start3A_10, %dma_start3A_11] : memref<2x3200x8xf32, #tpu.memory_space<vmem>> -> memref<1x3200x8xf32, #tpu.memory_space<vmem>>
    %dma_start3A_13 = tpu.memref_squeeze %dma_start3A_12 : memref<1x3200x8xf32, #tpu.memory_space<vmem>> -> memref<3200x8xf32, #tpu.memory_space<vmem>>
    %dma_start3A_14 = arith.constant 0 : i32
    %dma_start3A_15 = tpu.memref_slice %arg6[%dma_start3A, %dma_start3A_14] : memref<2x3200xi32, #tpu.memory_space<vmem>> -> memref<1x3200xi32, #tpu.memory_space<vmem>>
    %dma_start3A_16 = tpu.memref_squeeze %dma_start3A_15 : memref<1x3200xi32, #tpu.memory_space<vmem>> -> memref<3200xi32, #tpu.memory_space<vmem>>
    %dma_start3A_17 = arith.constant 0 : i32
    %dma_start3A_18 = arith.constant 0 : i32
    %dma_start3A_19 = tpu.memref_slice %arg2[%dma_start3A_17, %dma_start3A_18] : memref<250000x8xf32, #tpu.memory_space<hbm>> -> memref<250000x8xf32, #tpu.memory_space<hbm>>
    tpu.enqueue_indirect_dma source(%dma_start3A_19 : memref<250000x8xf32, #tpu.memory_space<hbm>>) target(%dma_start3A_13 : memref<3200x8xf32, #tpu.memory_space<vmem>>) offsets(%dma_start3A_16 : memref<3200xi32, #tpu.memory_space<vmem>>) semaphore(%arg9 : memref<!tpu.dma_semaphore, #tpu.memory_space<semaphore_mem>>)
    %dma_wait3A = arith.constant 0 : i32
    %dma_wait3A_20 = arith.constant 0 : i32
    %dma_wait3A_21 = arith.constant 0 : i32
    %dma_wait3A_22 = arith.constant 0 : i32
    %dma_wait3A_23 = tpu.memref_slice %arg7[%dma_wait3A_20, %dma_wait3A_21, %dma_wait3A_22] : memref<2x3200x8xf32, #tpu.memory_space<vmem>> -> memref<1x3200x8xf32, #tpu.memory_space<vmem>>
    %dma_wait3A_24 = tpu.memref_squeeze %dma_wait3A_23 : memref<1x3200x8xf32, #tpu.memory_space<vmem>> -> memref<3200x8xf32, #tpu.memory_space<vmem>>
    %dma_wait3A_25 = arith.constant 0 : i32
    %dma_wait3A_26 = tpu.memref_slice %arg6[%dma_wait3A, %dma_wait3A_25] : memref<2x3200xi32, #tpu.memory_space<vmem>> -> memref<1x3200xi32, #tpu.memory_space<vmem>>
    %dma_wait3A_27 = tpu.memref_squeeze %dma_wait3A_26 : memref<1x3200xi32, #tpu.memory_space<vmem>> -> memref<3200xi32, #tpu.memory_space<vmem>>
    %dma_wait3A_28 = arith.constant 0 : i32
    %dma_wait3A_29 = arith.constant 0 : i32
    %dma_wait3A_30 = tpu.memref_slice %arg2[%dma_wait3A_28, %dma_wait3A_29] : memref<250000x8xf32, #tpu.memory_space<hbm>> -> memref<250000x8xf32, #tpu.memory_space<hbm>>
    tpu.wait_indirect_dma semaphore(%arg9 : memref<!tpu.dma_semaphore, #tpu.memory_space<semaphore_mem>>) src(%dma_wait3A_30 : memref<250000x8xf32, #tpu.memory_space<hbm>>) dst(%dma_wait3A_24 : memref<3200x8xf32, #tpu.memory_space<vmem>>)
    %scan3A_31 = arith.constant 0 : i32
    %scan3A_32 = arith.constant 1 : i32
    %scan3A_33 = arith.constant 0 : i32
    %scan3A_34 = arith.constant 200 : i32
    %scan3A_35 = arith.addi %scan3A_33, %scan3A_34 : i32
    %scan3A_36 = arith.constant 1 : i32
    scf.for %scan3A_470 = %scan3A_33 to %scan3A_35 step %scan3A_36  : i32 {
      %mul3A_471 = arith.constant 16 : i32
      %mul3A_472 = arith.muli %scan3A_470, %mul3A_471 : i32
      %add3A_473 = arith.constant 3200 : i32
      %add3A_474 = arith.addi %add3A_473, %mul3A_472 : i32
      %get3A = arith.index_cast %add3A_474 : i32 to index
      %get3A_475 = tpu.vector_load %arg5[%get3A] {strides = array<i32>} : memref<25600xi32, #tpu.memory_space<vmem>>, vector<16xi32>,
      %shift_right_logical3A = arith.constant 2 : i32
      %shift_right_logical3A_476 = vector.broadcast %shift_right_logical3A : i32 to vector<16xi32>
      %shift_right_logical3A_477 = arith.shrui %get3A_475, %shift_right_logical3A_476 : vector<16xi32>
      %mul3A_478 = arith.constant 16 : i32
      %mul3A_479 = arith.muli %scan3A_470, %mul3A_478 : i32
      %swap3A = arith.constant 0 : i32
      %swap3A_480 = tpu.memref_slice %arg6[%scan3A_32, %swap3A] : memref<2x3200xi32, #tpu.memory_space<vmem>> -> memref<1x3200xi32, #tpu.memory_space<vmem>>
      %swap3A_481 = tpu.memref_squeeze %swap3A_480 : memref<1x3200xi32, #tpu.memory_space<vmem>> -> memref<3200xi32, #tpu.memory_space<vmem>>
      %swap3A_482 = arith.index_cast %mul3A_479 : i32 to index
      %swap3A_483 = tpu.vector_load %swap3A_481[%swap3A_482] {strides = array<i32>} : memref<3200xi32, #tpu.memory_space<vmem>>, vector<16xi32>,
      tpu.vector_store %swap3A_481[%swap3A_482], %shift_right_logical3A_477 {strides = array<i32>} : memref<3200xi32, #tpu.memory_space<vmem>>, vector<16xi32>,
    }
    %scan3A_37 = arith.constant 200 : i32
    %dma_start3A_38 = arith.constant 1 : i32
    %dma_start3A_39 = arith.constant 1 : i32
    %dma_start3A_40 = arith.constant 0 : i32
    %dma_start3A_41 = arith.constant 0 : i32
    %dma_start3A_42 = tpu.memref_slice %arg7[%dma_start3A_39, %dma_start3A_40, %dma_start3A_41] : memref<2x3200x8xf32, #tpu.memory_space<vmem>> -> memref<1x3200x8xf32, #tpu.memory_space<vmem>>
    %dma_start3A_43 = tpu.memref_squeeze %dma_start3A_42 : memref<1x3200x8xf32, #tpu.memory_space<vmem>> -> memref<3200x8xf32, #tpu.memory_space<vmem>>
    %dma_start3A_44 = arith.constant 0 : i32
    %dma_start3A_45 = tpu.memref_slice %arg6[%dma_start3A_38, %dma_start3A_44] : memref<2x3200xi32, #tpu.memory_space<vmem>> -> memref<1x3200xi32, #tpu.memory_space<vmem>>
    %dma_start3A_46 = tpu.memref_squeeze %dma_start3A_45 : memref<1x3200xi32, #tpu.memory_space<vmem>> -> memref<3200xi32, #tpu.memory_space<vmem>>
    %dma_start3A_47 = arith.constant 0 : i32
    %dma_start3A_48 = arith.constant 0 : i32
    %dma_start3A_49 = tpu.memref_slice %arg2[%dma_start3A_47, %dma_start3A_48] : memref<250000x8xf32, #tpu.memory_space<hbm>> -> memref<250000x8xf32, #tpu.memory_space<hbm>>
    tpu.enqueue_indirect_dma source(%dma_start3A_49 : memref<250000x8xf32, #tpu.memory_space<hbm>>) target(%dma_start3A_43 : memref<3200x8xf32, #tpu.memory_space<vmem>>) offsets(%dma_start3A_46 : memref<3200xi32, #tpu.memory_space<vmem>>) semaphore(%arg9 : memref<!tpu.dma_semaphore, #tpu.memory_space<semaphore_mem>>)
    %scan3A_50 = arith.constant 0 : i32
    %scan3A_51 = arith.constant 0 : i32
    %scan3A_52 = arith.constant 0 : i32
    %scan3A_53 = arith.constant 0 : i32
    %scan3A_54 = arith.constant 400 : i32
    %scan3A_55 = arith.addi %scan3A_53, %scan3A_54 : i32
    %scan3A_56 = arith.constant 1 : i32
    scf.for %scan3A_470 = %scan3A_53 to %scan3A_55 step %scan3A_56  : i32 {
      %mul3A_471 = arith.constant 8 : i32
      %mul3A_472 = arith.muli %scan3A_470, %mul3A_471 : i32
      %shift_right_logical3A = arith.constant 1 : i32
      %shift_right_logical3A_473 = vector.broadcast %shift_right_logical3A : i32 to vector<16xi32>
      %shift_right_logical3A_474 = arith.shrui %iota3A, %shift_right_logical3A_473 : vector<16xi32>
      %add3A_475 = vector.broadcast %mul3A_472 : i32 to vector<16xi32>
      %add3A_476 = arith.addi %add3A_475, %shift_right_logical3A_474 : vector<16xi32>
      %add3A_477 = arith.constant 0 : i32
      %add3A_478 = vector.broadcast %add3A_477 : i32 to vector<16xi32>
      %add3A_479 = arith.addi %add3A_478, %add3A_476 : vector<16xi32>
      %gather3A = tpu.vector_load_idx %arg5[%add3A_479] : memref<25600xi32, #tpu.memory_space<vmem>>[vector<16xi32>], vector<16xi32>,
      %and3A = arith.constant 3 : i32
      %and3A_480 = vector.broadcast %and3A : i32 to vector<16xi32>
      %and3A_481 = arith.andi %gather3A, %and3A_480 : vector<16xi32>
      %shift_left3A = arith.constant 1 : i32
      %shift_left3A_482 = vector.broadcast %shift_left3A : i32 to vector<16xi32>
      %shift_left3A_483 = arith.shli %and3A_481, %shift_left3A_482 : vector<16xi32>
      %and3A_484 = arith.constant 1 : i32
      %and3A_485 = vector.broadcast %and3A_484 : i32 to vector<16xi32>
      %and3A_486 = arith.andi %iota3A, %and3A_485 : vector<16xi32>
      %add3A_487 = arith.addi %shift_left3A_483, %and3A_486 : vector<16xi32>
      %gather3A_488 = arith.constant 0 : i32
      %gather3A_489 = arith.constant 0 : i32
      %gather3A_490 = tpu.memref_slice %arg7[%scan3A_51, %gather3A_488, %gather3A_489] : memref<2x3200x8xf32, #tpu.memory_space<vmem>> -> memref<1x3200x8xf32, #tpu.memory_space<vmem>>
      %gather3A_491 = tpu.memref_squeeze %gather3A_490 : memref<1x3200x8xf32, #tpu.memory_space<vmem>> -> memref<3200x8xf32, #tpu.memory_space<vmem>>
      %gather3A_492 = tpu.vector_load_idx %gather3A_491[%add3A_476, %add3A_487] : memref<3200x8xf32, #tpu.memory_space<vmem>>[vector<16xi32>, vector<16xi32>], vector<16xf32>,
      %mul3A_493 = arith.constant 16 : i32
      %mul3A_494 = arith.muli %scan3A_470, %mul3A_493 : i32
      %swap3A = arith.constant 0 : i32
      %swap3A_495 = tpu.memref_slice %arg8[%scan3A_52, %swap3A] : memref<2x6400xf32, #tpu.memory_space<vmem>> -> memref<1x6400xf32, #tpu.memory_space<vmem>>
      %swap3A_496 = tpu.memref_squeeze %swap3A_495 : memref<1x6400xf32, #tpu.memory_space<vmem>> -> memref<6400xf32, #tpu.memory_space<vmem>>
      %swap3A_497 = arith.index_cast %mul3A_494 : i32 to index
      %swap3A_498 = tpu.vector_load %swap3A_496[%swap3A_497] {strides = array<i32>} : memref<6400xf32, #tpu.memory_space<vmem>>, vector<16xf32>,
      tpu.vector_store %swap3A_496[%swap3A_497], %gather3A_492 {strides = array<i32>} : memref<6400xf32, #tpu.memory_space<vmem>>, vector<16xf32>,
    }
    %scan3A_57 = arith.constant 400 : i32
    %add3A_58 = arith.constant 0 : i32
    %add3A_59 = arith.addi %mul3A_2, %add3A_58 : i32
    %mul3A_60 = arith.constant 2 : i32
    %mul3A_61 = arith.muli %mul3A_60, %add3A_59 : i32
    %dma_start3A_62 = arith.constant 0 : i32
    %dma_start3A_63 = arith.constant 0 : i32
    %dma_start3A_64 = tpu.memref_slice %arg8[%dma_start3A_62, %dma_start3A_63] : memref<2x6400xf32, #tpu.memory_space<vmem>> -> memref<1x6400xf32, #tpu.memory_space<vmem>>
    %dma_start3A_65 = tpu.memref_squeeze %dma_start3A_64 : memref<1x6400xf32, #tpu.memory_space<vmem>> -> memref<6400xf32, #tpu.memory_space<vmem>>
    %dma_start3A_66 = tpu.memref_slice %arg4[%mul3A_61] : memref<1638400xf32, #tpu.memory_space<hbm>> -> memref<6400xf32, #tpu.memory_space<hbm>>
    %dma_start3A_67 = tpu.memref_slice %arg4[%mul3A_61] : memref<1638400xf32, #tpu.memory_space<hbm>> -> memref<6400xf32, #tpu.memory_space<hbm>>
    %dma_start3A_68 = arith.constant 0 : i32
    %dma_start3A_69 = tpu.memref_slice %arg8[%dma_start3A_62, %dma_start3A_68] : memref<2x6400xf32, #tpu.memory_space<vmem>> -> memref<1x6400xf32, #tpu.memory_space<vmem>>
    %dma_start3A_70 = tpu.memref_squeeze %dma_start3A_69 : memref<1x6400xf32, #tpu.memory_space<vmem>> -> memref<6400xf32, #tpu.memory_space<vmem>>
    tpu.enqueue_dma source(%dma_start3A_70 : memref<6400xf32, #tpu.memory_space<vmem>>) target(%dma_start3A_67 : memref<6400xf32, #tpu.memory_space<hbm>>) target_semaphore(%arg10 : memref<!tpu.dma_semaphore, #tpu.memory_space<semaphore_mem>>)
    %dma_wait3A_71 = arith.constant 1 : i32
    %dma_wait3A_72 = arith.constant 1 : i32
    %dma_wait3A_73 = arith.constant 0 : i32
    %dma_wait3A_74 = arith.constant 0 : i32
    %dma_wait3A_75 = tpu.memref_slice %arg7[%dma_wait3A_72, %dma_wait3A_73, %dma_wait3A_74] : memref<2x3200x8xf32, #tpu.memory_space<vmem>> -> memref<1x3200x8xf32, #tpu.memory_space<vmem>>
    %dma_wait3A_76 = tpu.memref_squeeze %dma_wait3A_75 : memref<1x3200x8xf32, #tpu.memory_space<vmem>> -> memref<3200x8xf32, #tpu.memory_space<vmem>>
    %dma_wait3A_77 = arith.constant 0 : i32
    %dma_wait3A_78 = tpu.memref_slice %arg6[%dma_wait3A_71, %dma_wait3A_77] : memref<2x3200xi32, #tpu.memory_space<vmem>> -> memref<1x3200xi32, #tpu.memory_space<vmem>>
    %dma_wait3A_79 = tpu.memref_squeeze %dma_wait3A_78 : memref<1x3200xi32, #tpu.memory_space<vmem>> -> memref<3200xi32, #tpu.memory_space<vmem>>
    %dma_wait3A_80 = arith.constant 0 : i32
    %dma_wait3A_81 = arith.constant 0 : i32
    %dma_wait3A_82 = tpu.memref_slice %arg2[%dma_wait3A_80, %dma_wait3A_81] : memref<250000x8xf32, #tpu.memory_space<hbm>> -> memref<250000x8xf32, #tpu.memory_space<hbm>>
    tpu.wait_indirect_dma semaphore(%arg9 : memref<!tpu.dma_semaphore, #tpu.memory_space<semaphore_mem>>) src(%dma_wait3A_82 : memref<250000x8xf32, #tpu.memory_space<hbm>>) dst(%dma_wait3A_76 : memref<3200x8xf32, #tpu.memory_space<vmem>>)
    %scan3A_83 = arith.constant 0 : i32
    %scan3A_84 = arith.constant 0 : i32
    %scan3A_85 = arith.constant 0 : i32
    %scan3A_86 = arith.constant 200 : i32
    %scan3A_87 = arith.addi %scan3A_85, %scan3A_86 : i32
    %scan3A_88 = arith.constant 1 : i32
    scf.for %scan3A_470 = %scan3A_85 to %scan3A_87 step %scan3A_88  : i32 {
      %mul3A_471 = arith.constant 16 : i32
      %mul3A_472 = arith.muli %scan3A_470, %mul3A_471 : i32
      %add3A_473 = arith.constant 6400 : i32
      %add3A_474 = arith.addi %add3A_473, %mul3A_472 : i32
      %get3A = arith.index_cast %add3A_474 : i32 to index
      %get3A_475 = tpu.vector_load %arg5[%get3A] {strides = array<i32>} : memref<25600xi32, #tpu.memory_space<vmem>>, vector<16xi32>,
      %shift_right_logical3A = arith.constant 2 : i32
      %shift_right_logical3A_476 = vector.broadcast %shift_right_logical3A : i32 to vector<16xi32>
      %shift_right_logical3A_477 = arith.shrui %get3A_475, %shift_right_logical3A_476 : vector<16xi32>
      %mul3A_478 = arith.constant 16 : i32
      %mul3A_479 = arith.muli %scan3A_470, %mul3A_478 : i32
      %swap3A = arith.constant 0 : i32
      %swap3A_480 = tpu.memref_slice %arg6[%scan3A_84, %swap3A] : memref<2x3200xi32, #tpu.memory_space<vmem>> -> memref<1x3200xi32, #tpu.memory_space<vmem>>
      %swap3A_481 = tpu.memref_squeeze %swap3A_480 : memref<1x3200xi32, #tpu.memory_space<vmem>> -> memref<3200xi32, #tpu.memory_space<vmem>>
      %swap3A_482 = arith.index_cast %mul3A_479 : i32 to index
      %swap3A_483 = tpu.vector_load %swap3A_481[%swap3A_482] {strides = array<i32>} : memref<3200xi32, #tpu.memory_space<vmem>>, vector<16xi32>,
      tpu.vector_store %swap3A_481[%swap3A_482], %shift_right_logical3A_477 {strides = array<i32>} : memref<3200xi32, #tpu.memory_space<vmem>>, vector<16xi32>,
    }
    %scan3A_89 = arith.constant 200 : i32
    %dma_start3A_90 = arith.constant 0 : i32
    %dma_start3A_91 = arith.constant 0 : i32
    %dma_start3A_92 = arith.constant 0 : i32
    %dma_start3A_93 = arith.constant 0 : i32
    %dma_start3A_94 = tpu.memref_slice %arg7[%dma_start3A_91, %dma_start3A_92, %dma_start3A_93] : memref<2x3200x8xf32, #tpu.memory_space<vmem>> -> memref<1x3200x8xf32, #tpu.memory_space<vmem>>
    %dma_start3A_95 = tpu.memref_squeeze %dma_start3A_94 : memref<1x3200x8xf32, #tpu.memory_space<vmem>> -> memref<3200x8xf32, #tpu.memory_space<vmem>>
    %dma_start3A_96 = arith.constant 0 : i32
    %dma_start3A_97 = tpu.memref_slice %arg6[%dma_start3A_90, %dma_start3A_96] : memref<2x3200xi32, #tpu.memory_space<vmem>> -> memref<1x3200xi32, #tpu.memory_space<vmem>>
    %dma_start3A_98 = tpu.memref_squeeze %dma_start3A_97 : memref<1x3200xi32, #tpu.memory_space<vmem>> -> memref<3200xi32, #tpu.memory_space<vmem>>
    %dma_start3A_99 = arith.constant 0 : i32
    %dma_start3A_100 = arith.constant 0 : i32
    %dma_start3A_101 = tpu.memref_slice %arg2[%dma_start3A_99, %dma_start3A_100] : memref<250000x8xf32, #tpu.memory_space<hbm>> -> memref<250000x8xf32, #tpu.memory_space<hbm>>
    tpu.enqueue_indirect_dma source(%dma_start3A_101 : memref<250000x8xf32, #tpu.memory_space<hbm>>) target(%dma_start3A_95 : memref<3200x8xf32, #tpu.memory_space<vmem>>) offsets(%dma_start3A_98 : memref<3200xi32, #tpu.memory_space<vmem>>) semaphore(%arg9 : memref<!tpu.dma_semaphore, #tpu.memory_space<semaphore_mem>>)
    %scan3A_102 = arith.constant 0 : i32
    %scan3A_103 = arith.constant 1 : i32
    %scan3A_104 = arith.constant 1 : i32
    %scan3A_105 = arith.constant 0 : i32
    %scan3A_106 = arith.constant 400 : i32
    %scan3A_107 = arith.addi %scan3A_105, %scan3A_106 : i32
    %scan3A_108 = arith.constant 1 : i32
    scf.for %scan3A_470 = %scan3A_105 to %scan3A_107 step %scan3A_108  : i32 {
      %mul3A_471 = arith.constant 8 : i32
      %mul3A_472 = arith.muli %scan3A_470, %mul3A_471 : i32
      %shift_right_logical3A = arith.constant 1 : i32
      %shift_right_logical3A_473 = vector.broadcast %shift_right_logical3A : i32 to vector<16xi32>
      %shift_right_logical3A_474 = arith.shrui %iota3A, %shift_right_logical3A_473 : vector<16xi32>
      %add3A_475 = vector.broadcast %mul3A_472 : i32 to vector<16xi32>
      %add3A_476 = arith.addi %add3A_475, %shift_right_logical3A_474 : vector<16xi32>
      %add3A_477 = arith.constant 3200 : i32
      %add3A_478 = vector.broadcast %add3A_477 : i32 to vector<16xi32>
      %add3A_479 = arith.addi %add3A_478, %add3A_476 : vector<16xi32>
      %gather3A = tpu.vector_load_idx %arg5[%add3A_479] : memref<25600xi32, #tpu.memory_space<vmem>>[vector<16xi32>], vector<16xi32>,
      %and3A = arith.constant 3 : i32
      %and3A_480 = vector.broadcast %and3A : i32 to vector<16xi32>
      %and3A_481 = arith.andi %gather3A, %and3A_480 : vector<16xi32>
      %shift_left3A = arith.constant 1 : i32
      %shift_left3A_482 = vector.broadcast %shift_left3A : i32 to vector<16xi32>
      %shift_left3A_483 = arith.shli %and3A_481, %shift_left3A_482 : vector<16xi32>
      %and3A_484 = arith.constant 1 : i32
      %and3A_485 = vector.broadcast %and3A_484 : i32 to vector<16xi32>
      %and3A_486 = arith.andi %iota3A, %and3A_485 : vector<16xi32>
      %add3A_487 = arith.addi %shift_left3A_483, %and3A_486 : vector<16xi32>
      %gather3A_488 = arith.constant 0 : i32
      %gather3A_489 = arith.constant 0 : i32
      %gather3A_490 = tpu.memref_slice %arg7[%scan3A_103, %gather3A_488, %gather3A_489] : memref<2x3200x8xf32, #tpu.memory_space<vmem>> -> memref<1x3200x8xf32, #tpu.memory_space<vmem>>
      %gather3A_491 = tpu.memref_squeeze %gather3A_490 : memref<1x3200x8xf32, #tpu.memory_space<vmem>> -> memref<3200x8xf32, #tpu.memory_space<vmem>>
      %gather3A_492 = tpu.vector_load_idx %gather3A_491[%add3A_476, %add3A_487] : memref<3200x8xf32, #tpu.memory_space<vmem>>[vector<16xi32>, vector<16xi32>], vector<16xf32>,
      %mul3A_493 = arith.constant 16 : i32
      %mul3A_494 = arith.muli %scan3A_470, %mul3A_493 : i32
      %swap3A = arith.constant 0 : i32
      %swap3A_495 = tpu.memref_slice %arg8[%scan3A_104, %swap3A] : memref<2x6400xf32, #tpu.memory_space<vmem>> -> memref<1x6400xf32, #tpu.memory_space<vmem>>
      %swap3A_496 = tpu.memref_squeeze %swap3A_495 : memref<1x6400xf32, #tpu.memory_space<vmem>> -> memref<6400xf32, #tpu.memory_space<vmem>>
      %swap3A_497 = arith.index_cast %mul3A_494 : i32 to index
      %swap3A_498 = tpu.vector_load %swap3A_496[%swap3A_497] {strides = array<i32>} : memref<6400xf32, #tpu.memory_space<vmem>>, vector<16xf32>,
      tpu.vector_store %swap3A_496[%swap3A_497], %gather3A_492 {strides = array<i32>} : memref<6400xf32, #tpu.memory_space<vmem>>, vector<16xf32>,
    }
    %scan3A_109 = arith.constant 400 : i32
    %dma_wait3A_110 = arith.constant 0 : i32
    %dma_wait3A_111 = arith.constant 0 : i32
    %dma_wait3A_112 = tpu.memref_slice %arg8[%dma_wait3A_110, %dma_wait3A_111] : memref<2x6400xf32, #tpu.memory_space<vmem>> -> memref<1x6400xf32, #tpu.memory_space<vmem>>
    %dma_wait3A_113 = tpu.memref_squeeze %dma_wait3A_112 : memref<1x6400xf32, #tpu.memory_space<vmem>> -> memref<6400xf32, #tpu.memory_space<vmem>>
    %dma_wait3A_114 = tpu.memref_slice %arg4[%mul3A_61] : memref<1638400xf32, #tpu.memory_space<hbm>> -> memref<6400xf32, #tpu.memory_space<hbm>>
    %dma_wait3A_115 = tpu.memref_slice %arg4[%mul3A_61] : memref<1638400xf32, #tpu.memory_space<hbm>> -> memref<6400xf32, #tpu.memory_space<hbm>>
    %dma_wait3A_116 = arith.constant 0 : i32
    %dma_wait3A_117 = tpu.memref_slice %arg8[%dma_wait3A_110, %dma_wait3A_116] : memref<2x6400xf32, #tpu.memory_space<vmem>> -> memref<1x6400xf32, #tpu.memory_space<vmem>>
    %dma_wait3A_118 = tpu.memref_squeeze %dma_wait3A_117 : memref<1x6400xf32, #tpu.memory_space<vmem>> -> memref<6400xf32, #tpu.memory_space<vmem>>
    tpu.wait_dma2 semaphore(%arg10 : memref<!tpu.dma_semaphore, #tpu.memory_space<semaphore_mem>>) src(%dma_wait3A_118 : memref<6400xf32, #tpu.memory_space<vmem>>) dst(%dma_wait3A_115 : memref<6400xf32, #tpu.memory_space<hbm>>)
    %add3A_119 = arith.constant 3200 : i32
    %add3A_120 = arith.addi %mul3A_2, %add3A_119 : i32
    %mul3A_121 = arith.constant 2 : i32
    %mul3A_122 = arith.muli %mul3A_121, %add3A_120 : i32
    %dma_start3A_123 = arith.constant 1 : i32
    %dma_start3A_124 = arith.constant 0 : i32
    %dma_start3A_125 = tpu.memref_slice %arg8[%dma_start3A_123, %dma_start3A_124] : memref<2x6400xf32, #tpu.memory_space<vmem>> -> memref<1x6400xf32, #tpu.memory_space<vmem>>
    %dma_start3A_126 = tpu.memref_squeeze %dma_start3A_125 : memref<1x6400xf32, #tpu.memory_space<vmem>> -> memref<6400xf32, #tpu.memory_space<vmem>>
    %dma_start3A_127 = tpu.memref_slice %arg4[%mul3A_122] : memref<1638400xf32, #tpu.memory_space<hbm>> -> memref<6400xf32, #tpu.memory_space<hbm>>
    %dma_start3A_128 = tpu.memref_slice %arg4[%mul3A_122] : memref<1638400xf32, #tpu.memory_space<hbm>> -> memref<6400xf32, #tpu.memory_space<hbm>>
    %dma_start3A_129 = arith.constant 0 : i32
    %dma_start3A_130 = tpu.memref_slice %arg8[%dma_start3A_123, %dma_start3A_129] : memref<2x6400xf32, #tpu.memory_space<vmem>> -> memref<1x6400xf32, #tpu.memory_space<vmem>>
    %dma_start3A_131 = tpu.memref_squeeze %dma_start3A_130 : memref<1x6400xf32, #tpu.memory_space<vmem>> -> memref<6400xf32, #tpu.memory_space<vmem>>
    tpu.enqueue_dma source(%dma_start3A_131 : memref<6400xf32, #tpu.memory_space<vmem>>) target(%dma_start3A_128 : memref<6400xf32, #tpu.memory_space<hbm>>) target_semaphore(%arg10 : memref<!tpu.dma_semaphore, #tpu.memory_space<semaphore_mem>>)
    %dma_wait3A_132 = arith.constant 0 : i32
    %dma_wait3A_133 = arith.constant 0 : i32
    %dma_wait3A_134 = arith.constant 0 : i32
    %dma_wait3A_135 = arith.constant 0 : i32
    %dma_wait3A_136 = tpu.memref_slice %arg7[%dma_wait3A_133, %dma_wait3A_134, %dma_wait3A_135] : memref<2x3200x8xf32, #tpu.memory_space<vmem>> -> memref<1x3200x8xf32, #tpu.memory_space<vmem>>
    %dma_wait3A_137 = tpu.memref_squeeze %dma_wait3A_136 : memref<1x3200x8xf32, #tpu.memory_space<vmem>> -> memref<3200x8xf32, #tpu.memory_space<vmem>>
    %dma_wait3A_138 = arith.constant 0 : i32
    %dma_wait3A_139 = tpu.memref_slice %arg6[%dma_wait3A_132, %dma_wait3A_138] : memref<2x3200xi32, #tpu.memory_space<vmem>> -> memref<1x3200xi32, #tpu.memory_space<vmem>>
    %dma_wait3A_140 = tpu.memref_squeeze %dma_wait3A_139 : memref<1x3200xi32, #tpu.memory_space<vmem>> -> memref<3200xi32, #tpu.memory_space<vmem>>
    %dma_wait3A_141 = arith.constant 0 : i32
    %dma_wait3A_142 = arith.constant 0 : i32
    %dma_wait3A_143 = tpu.memref_slice %arg2[%dma_wait3A_141, %dma_wait3A_142] : memref<250000x8xf32, #tpu.memory_space<hbm>> -> memref<250000x8xf32, #tpu.memory_space<hbm>>
    tpu.wait_indirect_dma semaphore(%arg9 : memref<!tpu.dma_semaphore, #tpu.memory_space<semaphore_mem>>) src(%dma_wait3A_143 : memref<250000x8xf32, #tpu.memory_space<hbm>>) dst(%dma_wait3A_137 : memref<3200x8xf32, #tpu.memory_space<vmem>>)
    %scan3A_144 = arith.constant 0 : i32
    %scan3A_145 = arith.constant 1 : i32
    %scan3A_146 = arith.constant 0 : i32
    %scan3A_147 = arith.constant 200 : i32
    %scan3A_148 = arith.addi %scan3A_146, %scan3A_147 : i32
    %scan3A_149 = arith.constant 1 : i32
    scf.for %scan3A_470 = %scan3A_146 to %scan3A_148 step %scan3A_149  : i32 {
      %mul3A_471 = arith.constant 16 : i32
      %mul3A_472 = arith.muli %scan3A_470, %mul3A_471 : i32
      %add3A_473 = arith.constant 9600 : i32
      %add3A_474 = arith.addi %add3A_473, %mul3A_472 : i32
      %get3A = arith.index_cast %add3A_474 : i32 to index
      %get3A_475 = tpu.vector_load %arg5[%get3A] {strides = array<i32>} : memref<25600xi32, #tpu.memory_space<vmem>>, vector<16xi32>,
      %shift_right_logical3A = arith.constant 2 : i32
      %shift_right_logical3A_476 = vector.broadcast %shift_right_logical3A : i32 to vector<16xi32>
      %shift_right_logical3A_477 = arith.shrui %get3A_475, %shift_right_logical3A_476 : vector<16xi32>
      %mul3A_478 = arith.constant 16 : i32
      %mul3A_479 = arith.muli %scan3A_470, %mul3A_478 : i32
      %swap3A = arith.constant 0 : i32
      %swap3A_480 = tpu.memref_slice %arg6[%scan3A_145, %swap3A] : memref<2x3200xi32, #tpu.memory_space<vmem>> -> memref<1x3200xi32, #tpu.memory_space<vmem>>
      %swap3A_481 = tpu.memref_squeeze %swap3A_480 : memref<1x3200xi32, #tpu.memory_space<vmem>> -> memref<3200xi32, #tpu.memory_space<vmem>>
      %swap3A_482 = arith.index_cast %mul3A_479 : i32 to index
      %swap3A_483 = tpu.vector_load %swap3A_481[%swap3A_482] {strides = array<i32>} : memref<3200xi32, #tpu.memory_space<vmem>>, vector<16xi32>,
      tpu.vector_store %swap3A_481[%swap3A_482], %shift_right_logical3A_477 {strides = array<i32>} : memref<3200xi32, #tpu.memory_space<vmem>>, vector<16xi32>,
    }
    %scan3A_150 = arith.constant 200 : i32
    %dma_start3A_151 = arith.constant 1 : i32
    %dma_start3A_152 = arith.constant 1 : i32
    %dma_start3A_153 = arith.constant 0 : i32
    %dma_start3A_154 = arith.constant 0 : i32
    %dma_start3A_155 = tpu.memref_slice %arg7[%dma_start3A_152, %dma_start3A_153, %dma_start3A_154] : memref<2x3200x8xf32, #tpu.memory_space<vmem>> -> memref<1x3200x8xf32, #tpu.memory_space<vmem>>
    %dma_start3A_156 = tpu.memref_squeeze %dma_start3A_155 : memref<1x3200x8xf32, #tpu.memory_space<vmem>> -> memref<3200x8xf32, #tpu.memory_space<vmem>>
    %dma_start3A_157 = arith.constant 0 : i32
    %dma_start3A_158 = tpu.memref_slice %arg6[%dma_start3A_151, %dma_start3A_157] : memref<2x3200xi32, #tpu.memory_space<vmem>> -> memref<1x3200xi32, #tpu.memory_space<vmem>>
    %dma_start3A_159 = tpu.memref_squeeze %dma_start3A_158 : memref<1x3200xi32, #tpu.memory_space<vmem>> -> memref<3200xi32, #tpu.memory_space<vmem>>
    %dma_start3A_160 = arith.constant 0 : i32
    %dma_start3A_161 = arith.constant 0 : i32
    %dma_start3A_162 = tpu.memref_slice %arg2[%dma_start3A_160, %dma_start3A_161] : memref<250000x8xf32, #tpu.memory_space<hbm>> -> memref<250000x8xf32, #tpu.memory_space<hbm>>
    tpu.enqueue_indirect_dma source(%dma_start3A_162 : memref<250000x8xf32, #tpu.memory_space<hbm>>) target(%dma_start3A_156 : memref<3200x8xf32, #tpu.memory_space<vmem>>) offsets(%dma_start3A_159 : memref<3200xi32, #tpu.memory_space<vmem>>) semaphore(%arg9 : memref<!tpu.dma_semaphore, #tpu.memory_space<semaphore_mem>>)
    %scan3A_163 = arith.constant 0 : i32
    %scan3A_164 = arith.constant 0 : i32
    %scan3A_165 = arith.constant 0 : i32
    %scan3A_166 = arith.constant 0 : i32
    %scan3A_167 = arith.constant 400 : i32
    %scan3A_168 = arith.addi %scan3A_166, %scan3A_167 : i32
    %scan3A_169 = arith.constant 1 : i32
    scf.for %scan3A_470 = %scan3A_166 to %scan3A_168 step %scan3A_169  : i32 {
      %mul3A_471 = arith.constant 8 : i32
      %mul3A_472 = arith.muli %scan3A_470, %mul3A_471 : i32
      %shift_right_logical3A = arith.constant 1 : i32
      %shift_right_logical3A_473 = vector.broadcast %shift_right_logical3A : i32 to vector<16xi32>
      %shift_right_logical3A_474 = arith.shrui %iota3A, %shift_right_logical3A_473 : vector<16xi32>
      %add3A_475 = vector.broadcast %mul3A_472 : i32 to vector<16xi32>
      %add3A_476 = arith.addi %add3A_475, %shift_right_logical3A_474 : vector<16xi32>
      %add3A_477 = arith.constant 6400 : i32
      %add3A_478 = vector.broadcast %add3A_477 : i32 to vector<16xi32>
      %add3A_479 = arith.addi %add3A_478, %add3A_476 : vector<16xi32>
      %gather3A = tpu.vector_load_idx %arg5[%add3A_479] : memref<25600xi32, #tpu.memory_space<vmem>>[vector<16xi32>], vector<16xi32>,
      %and3A = arith.constant 3 : i32
      %and3A_480 = vector.broadcast %and3A : i32 to vector<16xi32>
      %and3A_481 = arith.andi %gather3A, %and3A_480 : vector<16xi32>
      %shift_left3A = arith.constant 1 : i32
      %shift_left3A_482 = vector.broadcast %shift_left3A : i32 to vector<16xi32>
      %shift_left3A_483 = arith.shli %and3A_481, %shift_left3A_482 : vector<16xi32>
      %and3A_484 = arith.constant 1 : i32
      %and3A_485 = vector.broadcast %and3A_484 : i32 to vector<16xi32>
      %and3A_486 = arith.andi %iota3A, %and3A_485 : vector<16xi32>
      %add3A_487 = arith.addi %shift_left3A_483, %and3A_486 : vector<16xi32>
      %gather3A_488 = arith.constant 0 : i32
      %gather3A_489 = arith.constant 0 : i32
      %gather3A_490 = tpu.memref_slice %arg7[%scan3A_164, %gather3A_488, %gather3A_489] : memref<2x3200x8xf32, #tpu.memory_space<vmem>> -> memref<1x3200x8xf32, #tpu.memory_space<vmem>>
      %gather3A_491 = tpu.memref_squeeze %gather3A_490 : memref<1x3200x8xf32, #tpu.memory_space<vmem>> -> memref<3200x8xf32, #tpu.memory_space<vmem>>
      %gather3A_492 = tpu.vector_load_idx %gather3A_491[%add3A_476, %add3A_487] : memref<3200x8xf32, #tpu.memory_space<vmem>>[vector<16xi32>, vector<16xi32>], vector<16xf32>,
      %mul3A_493 = arith.constant 16 : i32
      %mul3A_494 = arith.muli %scan3A_470, %mul3A_493 : i32
      %swap3A = arith.constant 0 : i32
      %swap3A_495 = tpu.memref_slice %arg8[%scan3A_165, %swap3A] : memref<2x6400xf32, #tpu.memory_space<vmem>> -> memref<1x6400xf32, #tpu.memory_space<vmem>>
      %swap3A_496 = tpu.memref_squeeze %swap3A_495 : memref<1x6400xf32, #tpu.memory_space<vmem>> -> memref<6400xf32, #tpu.memory_space<vmem>>
      %swap3A_497 = arith.index_cast %mul3A_494 : i32 to index
      %swap3A_498 = tpu.vector_load %swap3A_496[%swap3A_497] {strides = array<i32>} : memref<6400xf32, #tpu.memory_space<vmem>>, vector<16xf32>,
      tpu.vector_store %swap3A_496[%swap3A_497], %gather3A_492 {strides = array<i32>} : memref<6400xf32, #tpu.memory_space<vmem>>, vector<16xf32>,
    }
    %scan3A_170 = arith.constant 400 : i32
    %dma_wait3A_171 = arith.constant 1 : i32
    %dma_wait3A_172 = arith.constant 0 : i32
    %dma_wait3A_173 = tpu.memref_slice %arg8[%dma_wait3A_171, %dma_wait3A_172] : memref<2x6400xf32, #tpu.memory_space<vmem>> -> memref<1x6400xf32, #tpu.memory_space<vmem>>
    %dma_wait3A_174 = tpu.memref_squeeze %dma_wait3A_173 : memref<1x6400xf32, #tpu.memory_space<vmem>> -> memref<6400xf32, #tpu.memory_space<vmem>>
    %dma_wait3A_175 = tpu.memref_slice %arg4[%mul3A_122] : memref<1638400xf32, #tpu.memory_space<hbm>> -> memref<6400xf32, #tpu.memory_space<hbm>>
    %dma_wait3A_176 = tpu.memref_slice %arg4[%mul3A_122] : memref<1638400xf32, #tpu.memory_space<hbm>> -> memref<6400xf32, #tpu.memory_space<hbm>>
    %dma_wait3A_177 = arith.constant 0 : i32
    %dma_wait3A_178 = tpu.memref_slice %arg8[%dma_wait3A_171, %dma_wait3A_177] : memref<2x6400xf32, #tpu.memory_space<vmem>> -> memref<1x6400xf32, #tpu.memory_space<vmem>>
    %dma_wait3A_179 = tpu.memref_squeeze %dma_wait3A_178 : memref<1x6400xf32, #tpu.memory_space<vmem>> -> memref<6400xf32, #tpu.memory_space<vmem>>
    tpu.wait_dma2 semaphore(%arg10 : memref<!tpu.dma_semaphore, #tpu.memory_space<semaphore_mem>>) src(%dma_wait3A_179 : memref<6400xf32, #tpu.memory_space<vmem>>) dst(%dma_wait3A_176 : memref<6400xf32, #tpu.memory_space<hbm>>)
    %add3A_180 = arith.constant 6400 : i32
    %add3A_181 = arith.addi %mul3A_2, %add3A_180 : i32
    %mul3A_182 = arith.constant 2 : i32
    %mul3A_183 = arith.muli %mul3A_182, %add3A_181 : i32
    %dma_start3A_184 = arith.constant 0 : i32
    %dma_start3A_185 = arith.constant 0 : i32
    %dma_start3A_186 = tpu.memref_slice %arg8[%dma_start3A_184, %dma_start3A_185] : memref<2x6400xf32, #tpu.memory_space<vmem>> -> memref<1x6400xf32, #tpu.memory_space<vmem>>
    %dma_start3A_187 = tpu.memref_squeeze %dma_start3A_186 : memref<1x6400xf32, #tpu.memory_space<vmem>> -> memref<6400xf32, #tpu.memory_space<vmem>>
    %dma_start3A_188 = tpu.memref_slice %arg4[%mul3A_183] : memref<1638400xf32, #tpu.memory_space<hbm>> -> memref<6400xf32, #tpu.memory_space<hbm>>
    %dma_start3A_189 = tpu.memref_slice %arg4[%mul3A_183] : memref<1638400xf32, #tpu.memory_space<hbm>> -> memref<6400xf32, #tpu.memory_space<hbm>>
    %dma_start3A_190 = arith.constant 0 : i32
    %dma_start3A_191 = tpu.memref_slice %arg8[%dma_start3A_184, %dma_start3A_190] : memref<2x6400xf32, #tpu.memory_space<vmem>> -> memref<1x6400xf32, #tpu.memory_space<vmem>>
    %dma_start3A_192 = tpu.memref_squeeze %dma_start3A_191 : memref<1x6400xf32, #tpu.memory_space<vmem>> -> memref<6400xf32, #tpu.memory_space<vmem>>
    tpu.enqueue_dma source(%dma_start3A_192 : memref<6400xf32, #tpu.memory_space<vmem>>) target(%dma_start3A_189 : memref<6400xf32, #tpu.memory_space<hbm>>) target_semaphore(%arg10 : memref<!tpu.dma_semaphore, #tpu.memory_space<semaphore_mem>>)
    %dma_wait3A_193 = arith.constant 1 : i32
    %dma_wait3A_194 = arith.constant 1 : i32
    %dma_wait3A_195 = arith.constant 0 : i32
    %dma_wait3A_196 = arith.constant 0 : i32
    %dma_wait3A_197 = tpu.memref_slice %arg7[%dma_wait3A_194, %dma_wait3A_195, %dma_wait3A_196] : memref<2x3200x8xf32, #tpu.memory_space<vmem>> -> memref<1x3200x8xf32, #tpu.memory_space<vmem>>
    %dma_wait3A_198 = tpu.memref_squeeze %dma_wait3A_197 : memref<1x3200x8xf32, #tpu.memory_space<vmem>> -> memref<3200x8xf32, #tpu.memory_space<vmem>>
    %dma_wait3A_199 = arith.constant 0 : i32
    %dma_wait3A_200 = tpu.memref_slice %arg6[%dma_wait3A_193, %dma_wait3A_199] : memref<2x3200xi32, #tpu.memory_space<vmem>> -> memref<1x3200xi32, #tpu.memory_space<vmem>>
    %dma_wait3A_201 = tpu.memref_squeeze %dma_wait3A_200 : memref<1x3200xi32, #tpu.memory_space<vmem>> -> memref<3200xi32, #tpu.memory_space<vmem>>
    %dma_wait3A_202 = arith.constant 0 : i32
    %dma_wait3A_203 = arith.constant 0 : i32
    %dma_wait3A_204 = tpu.memref_slice %arg2[%dma_wait3A_202, %dma_wait3A_203] : memref<250000x8xf32, #tpu.memory_space<hbm>> -> memref<250000x8xf32, #tpu.memory_space<hbm>>
    tpu.wait_indirect_dma semaphore(%arg9 : memref<!tpu.dma_semaphore, #tpu.memory_space<semaphore_mem>>) src(%dma_wait3A_204 : memref<250000x8xf32, #tpu.memory_space<hbm>>) dst(%dma_wait3A_198 : memref<3200x8xf32, #tpu.memory_space<vmem>>)
    %scan3A_205 = arith.constant 0 : i32
    %scan3A_206 = arith.constant 0 : i32
    %scan3A_207 = arith.constant 0 : i32
    %scan3A_208 = arith.constant 200 : i32
    %scan3A_209 = arith.addi %scan3A_207, %scan3A_208 : i32
    %scan3A_210 = arith.constant 1 : i32
    scf.for %scan3A_470 = %scan3A_207 to %scan3A_209 step %scan3A_210  : i32 {
      %mul3A_471 = arith.constant 16 : i32
      %mul3A_472 = arith.muli %scan3A_470, %mul3A_471 : i32
      %add3A_473 = arith.constant 12800 : i32
      %add3A_474 = arith.addi %add3A_473, %mul3A_472 : i32
      %get3A = arith.index_cast %add3A_474 : i32 to index
      %get3A_475 = tpu.vector_load %arg5[%get3A] {strides = array<i32>} : memref<25600xi32, #tpu.memory_space<vmem>>, vector<16xi32>,
      %shift_right_logical3A = arith.constant 2 : i32
      %shift_right_logical3A_476 = vector.broadcast %shift_right_logical3A : i32 to vector<16xi32>
      %shift_right_logical3A_477 = arith.shrui %get3A_475, %shift_right_logical3A_476 : vector<16xi32>
      %mul3A_478 = arith.constant 16 : i32
      %mul3A_479 = arith.muli %scan3A_470, %mul3A_478 : i32
      %swap3A = arith.constant 0 : i32
      %swap3A_480 = tpu.memref_slice %arg6[%scan3A_206, %swap3A] : memref<2x3200xi32, #tpu.memory_space<vmem>> -> memref<1x3200xi32, #tpu.memory_space<vmem>>
      %swap3A_481 = tpu.memref_squeeze %swap3A_480 : memref<1x3200xi32, #tpu.memory_space<vmem>> -> memref<3200xi32, #tpu.memory_space<vmem>>
      %swap3A_482 = arith.index_cast %mul3A_479 : i32 to index
      %swap3A_483 = tpu.vector_load %swap3A_481[%swap3A_482] {strides = array<i32>} : memref<3200xi32, #tpu.memory_space<vmem>>, vector<16xi32>,
      tpu.vector_store %swap3A_481[%swap3A_482], %shift_right_logical3A_477 {strides = array<i32>} : memref<3200xi32, #tpu.memory_space<vmem>>, vector<16xi32>,
    }
    %scan3A_211 = arith.constant 200 : i32
    %dma_start3A_212 = arith.constant 0 : i32
    %dma_start3A_213 = arith.constant 0 : i32
    %dma_start3A_214 = arith.constant 0 : i32
    %dma_start3A_215 = arith.constant 0 : i32
    %dma_start3A_216 = tpu.memref_slice %arg7[%dma_start3A_213, %dma_start3A_214, %dma_start3A_215] : memref<2x3200x8xf32, #tpu.memory_space<vmem>> -> memref<1x3200x8xf32, #tpu.memory_space<vmem>>
    %dma_start3A_217 = tpu.memref_squeeze %dma_start3A_216 : memref<1x3200x8xf32, #tpu.memory_space<vmem>> -> memref<3200x8xf32, #tpu.memory_space<vmem>>
    %dma_start3A_218 = arith.constant 0 : i32
    %dma_start3A_219 = tpu.memref_slice %arg6[%dma_start3A_212, %dma_start3A_218] : memref<2x3200xi32, #tpu.memory_space<vmem>> -> memref<1x3200xi32, #tpu.memory_space<vmem>>
    %dma_start3A_220 = tpu.memref_squeeze %dma_start3A_219 : memref<1x3200xi32, #tpu.memory_space<vmem>> -> memref<3200xi32, #tpu.memory_space<vmem>>
    %dma_start3A_221 = arith.constant 0 : i32
    %dma_start3A_222 = arith.constant 0 : i32
    %dma_start3A_223 = tpu.memref_slice %arg2[%dma_start3A_221, %dma_start3A_222] : memref<250000x8xf32, #tpu.memory_space<hbm>> -> memref<250000x8xf32, #tpu.memory_space<hbm>>
    tpu.enqueue_indirect_dma source(%dma_start3A_223 : memref<250000x8xf32, #tpu.memory_space<hbm>>) target(%dma_start3A_217 : memref<3200x8xf32, #tpu.memory_space<vmem>>) offsets(%dma_start3A_220 : memref<3200xi32, #tpu.memory_space<vmem>>) semaphore(%arg9 : memref<!tpu.dma_semaphore, #tpu.memory_space<semaphore_mem>>)
    %scan3A_224 = arith.constant 0 : i32
    %scan3A_225 = arith.constant 1 : i32
    %scan3A_226 = arith.constant 1 : i32
    %scan3A_227 = arith.constant 0 : i32
    %scan3A_228 = arith.constant 400 : i32
    %scan3A_229 = arith.addi %scan3A_227, %scan3A_228 : i32
    %scan3A_230 = arith.constant 1 : i32
    scf.for %scan3A_470 = %scan3A_227 to %scan3A_229 step %scan3A_230  : i32 {
      %mul3A_471 = arith.constant 8 : i32
      %mul3A_472 = arith.muli %scan3A_470, %mul3A_471 : i32
      %shift_right_logical3A = arith.constant 1 : i32
      %shift_right_logical3A_473 = vector.broadcast %shift_right_logical3A : i32 to vector<16xi32>
      %shift_right_logical3A_474 = arith.shrui %iota3A, %shift_right_logical3A_473 : vector<16xi32>
      %add3A_475 = vector.broadcast %mul3A_472 : i32 to vector<16xi32>
      %add3A_476 = arith.addi %add3A_475, %shift_right_logical3A_474 : vector<16xi32>
      %add3A_477 = arith.constant 9600 : i32
      %add3A_478 = vector.broadcast %add3A_477 : i32 to vector<16xi32>
      %add3A_479 = arith.addi %add3A_478, %add3A_476 : vector<16xi32>
      %gather3A = tpu.vector_load_idx %arg5[%add3A_479] : memref<25600xi32, #tpu.memory_space<vmem>>[vector<16xi32>], vector<16xi32>,
      %and3A = arith.constant 3 : i32
      %and3A_480 = vector.broadcast %and3A : i32 to vector<16xi32>
      %and3A_481 = arith.andi %gather3A, %and3A_480 : vector<16xi32>
      %shift_left3A = arith.constant 1 : i32
      %shift_left3A_482 = vector.broadcast %shift_left3A : i32 to vector<16xi32>
      %shift_left3A_483 = arith.shli %and3A_481, %shift_left3A_482 : vector<16xi32>
      %and3A_484 = arith.constant 1 : i32
      %and3A_485 = vector.broadcast %and3A_484 : i32 to vector<16xi32>
      %and3A_486 = arith.andi %iota3A, %and3A_485 : vector<16xi32>
      %add3A_487 = arith.addi %shift_left3A_483, %and3A_486 : vector<16xi32>
      %gather3A_488 = arith.constant 0 : i32
      %gather3A_489 = arith.constant 0 : i32
      %gather3A_490 = tpu.memref_slice %arg7[%scan3A_225, %gather3A_488, %gather3A_489] : memref<2x3200x8xf32, #tpu.memory_space<vmem>> -> memref<1x3200x8xf32, #tpu.memory_space<vmem>>
      %gather3A_491 = tpu.memref_squeeze %gather3A_490 : memref<1x3200x8xf32, #tpu.memory_space<vmem>> -> memref<3200x8xf32, #tpu.memory_space<vmem>>
      %gather3A_492 = tpu.vector_load_idx %gather3A_491[%add3A_476, %add3A_487] : memref<3200x8xf32, #tpu.memory_space<vmem>>[vector<16xi32>, vector<16xi32>], vector<16xf32>,
      %mul3A_493 = arith.constant 16 : i32
      %mul3A_494 = arith.muli %scan3A_470, %mul3A_493 : i32
      %swap3A = arith.constant 0 : i32
      %swap3A_495 = tpu.memref_slice %arg8[%scan3A_226, %swap3A] : memref<2x6400xf32, #tpu.memory_space<vmem>> -> memref<1x6400xf32, #tpu.memory_space<vmem>>
      %swap3A_496 = tpu.memref_squeeze %swap3A_495 : memref<1x6400xf32, #tpu.memory_space<vmem>> -> memref<6400xf32, #tpu.memory_space<vmem>>
      %swap3A_497 = arith.index_cast %mul3A_494 : i32 to index
      %swap3A_498 = tpu.vector_load %swap3A_496[%swap3A_497] {strides = array<i32>} : memref<6400xf32, #tpu.memory_space<vmem>>, vector<16xf32>,
      tpu.vector_store %swap3A_496[%swap3A_497], %gather3A_492 {strides = array<i32>} : memref<6400xf32, #tpu.memory_space<vmem>>, vector<16xf32>,
    }
    %scan3A_231 = arith.constant 400 : i32
    %dma_wait3A_232 = arith.constant 0 : i32
    %dma_wait3A_233 = arith.constant 0 : i32
    %dma_wait3A_234 = tpu.memref_slice %arg8[%dma_wait3A_232, %dma_wait3A_233] : memref<2x6400xf32, #tpu.memory_space<vmem>> -> memref<1x6400xf32, #tpu.memory_space<vmem>>
    %dma_wait3A_235 = tpu.memref_squeeze %dma_wait3A_234 : memref<1x6400xf32, #tpu.memory_space<vmem>> -> memref<6400xf32, #tpu.memory_space<vmem>>
    %dma_wait3A_236 = tpu.memref_slice %arg4[%mul3A_183] : memref<1638400xf32, #tpu.memory_space<hbm>> -> memref<6400xf32, #tpu.memory_space<hbm>>
    %dma_wait3A_237 = tpu.memref_slice %arg4[%mul3A_183] : memref<1638400xf32, #tpu.memory_space<hbm>> -> memref<6400xf32, #tpu.memory_space<hbm>>
    %dma_wait3A_238 = arith.constant 0 : i32
    %dma_wait3A_239 = tpu.memref_slice %arg8[%dma_wait3A_232, %dma_wait3A_238] : memref<2x6400xf32, #tpu.memory_space<vmem>> -> memref<1x6400xf32, #tpu.memory_space<vmem>>
    %dma_wait3A_240 = tpu.memref_squeeze %dma_wait3A_239 : memref<1x6400xf32, #tpu.memory_space<vmem>> -> memref<6400xf32, #tpu.memory_space<vmem>>
    tpu.wait_dma2 semaphore(%arg10 : memref<!tpu.dma_semaphore, #tpu.memory_space<semaphore_mem>>) src(%dma_wait3A_240 : memref<6400xf32, #tpu.memory_space<vmem>>) dst(%dma_wait3A_237 : memref<6400xf32, #tpu.memory_space<hbm>>)
    %add3A_241 = arith.constant 9600 : i32
    %add3A_242 = arith.addi %mul3A_2, %add3A_241 : i32
    %mul3A_243 = arith.constant 2 : i32
    %mul3A_244 = arith.muli %mul3A_243, %add3A_242 : i32
    %dma_start3A_245 = arith.constant 1 : i32
    %dma_start3A_246 = arith.constant 0 : i32
    %dma_start3A_247 = tpu.memref_slice %arg8[%dma_start3A_245, %dma_start3A_246] : memref<2x6400xf32, #tpu.memory_space<vmem>> -> memref<1x6400xf32, #tpu.memory_space<vmem>>
    %dma_start3A_248 = tpu.memref_squeeze %dma_start3A_247 : memref<1x6400xf32, #tpu.memory_space<vmem>> -> memref<6400xf32, #tpu.memory_space<vmem>>
    %dma_start3A_249 = tpu.memref_slice %arg4[%mul3A_244] : memref<1638400xf32, #tpu.memory_space<hbm>> -> memref<6400xf32, #tpu.memory_space<hbm>>
    %dma_start3A_250 = tpu.memref_slice %arg4[%mul3A_244] : memref<1638400xf32, #tpu.memory_space<hbm>> -> memref<6400xf32, #tpu.memory_space<hbm>>
    %dma_start3A_251 = arith.constant 0 : i32
    %dma_start3A_252 = tpu.memref_slice %arg8[%dma_start3A_245, %dma_start3A_251] : memref<2x6400xf32, #tpu.memory_space<vmem>> -> memref<1x6400xf32, #tpu.memory_space<vmem>>
    %dma_start3A_253 = tpu.memref_squeeze %dma_start3A_252 : memref<1x6400xf32, #tpu.memory_space<vmem>> -> memref<6400xf32, #tpu.memory_space<vmem>>
    tpu.enqueue_dma source(%dma_start3A_253 : memref<6400xf32, #tpu.memory_space<vmem>>) target(%dma_start3A_250 : memref<6400xf32, #tpu.memory_space<hbm>>) target_semaphore(%arg10 : memref<!tpu.dma_semaphore, #tpu.memory_space<semaphore_mem>>)
    %dma_wait3A_254 = arith.constant 0 : i32
    %dma_wait3A_255 = arith.constant 0 : i32
    %dma_wait3A_256 = arith.constant 0 : i32
    %dma_wait3A_257 = arith.constant 0 : i32
    %dma_wait3A_258 = tpu.memref_slice %arg7[%dma_wait3A_255, %dma_wait3A_256, %dma_wait3A_257] : memref<2x3200x8xf32, #tpu.memory_space<vmem>> -> memref<1x3200x8xf32, #tpu.memory_space<vmem>>
    %dma_wait3A_259 = tpu.memref_squeeze %dma_wait3A_258 : memref<1x3200x8xf32, #tpu.memory_space<vmem>> -> memref<3200x8xf32, #tpu.memory_space<vmem>>
    %dma_wait3A_260 = arith.constant 0 : i32
    %dma_wait3A_261 = tpu.memref_slice %arg6[%dma_wait3A_254, %dma_wait3A_260] : memref<2x3200xi32, #tpu.memory_space<vmem>> -> memref<1x3200xi32, #tpu.memory_space<vmem>>
    %dma_wait3A_262 = tpu.memref_squeeze %dma_wait3A_261 : memref<1x3200xi32, #tpu.memory_space<vmem>> -> memref<3200xi32, #tpu.memory_space<vmem>>
    %dma_wait3A_263 = arith.constant 0 : i32
    %dma_wait3A_264 = arith.constant 0 : i32
    %dma_wait3A_265 = tpu.memref_slice %arg2[%dma_wait3A_263, %dma_wait3A_264] : memref<250000x8xf32, #tpu.memory_space<hbm>> -> memref<250000x8xf32, #tpu.memory_space<hbm>>
    tpu.wait_indirect_dma semaphore(%arg9 : memref<!tpu.dma_semaphore, #tpu.memory_space<semaphore_mem>>) src(%dma_wait3A_265 : memref<250000x8xf32, #tpu.memory_space<hbm>>) dst(%dma_wait3A_259 : memref<3200x8xf32, #tpu.memory_space<vmem>>)
    %scan3A_266 = arith.constant 0 : i32
    %scan3A_267 = arith.constant 1 : i32
    %scan3A_268 = arith.constant 0 : i32
    %scan3A_269 = arith.constant 200 : i32
    %scan3A_270 = arith.addi %scan3A_268, %scan3A_269 : i32
    %scan3A_271 = arith.constant 1 : i32
    scf.for %scan3A_470 = %scan3A_268 to %scan3A_270 step %scan3A_271  : i32 {
      %mul3A_471 = arith.constant 16 : i32
      %mul3A_472 = arith.muli %scan3A_470, %mul3A_471 : i32
      %add3A_473 = arith.constant 16000 : i32
      %add3A_474 = arith.addi %add3A_473, %mul3A_472 : i32
      %get3A = arith.index_cast %add3A_474 : i32 to index
      %get3A_475 = tpu.vector_load %arg5[%get3A] {strides = array<i32>} : memref<25600xi32, #tpu.memory_space<vmem>>, vector<16xi32>,
      %shift_right_logical3A = arith.constant 2 : i32
      %shift_right_logical3A_476 = vector.broadcast %shift_right_logical3A : i32 to vector<16xi32>
      %shift_right_logical3A_477 = arith.shrui %get3A_475, %shift_right_logical3A_476 : vector<16xi32>
      %mul3A_478 = arith.constant 16 : i32
      %mul3A_479 = arith.muli %scan3A_470, %mul3A_478 : i32
      %swap3A = arith.constant 0 : i32
      %swap3A_480 = tpu.memref_slice %arg6[%scan3A_267, %swap3A] : memref<2x3200xi32, #tpu.memory_space<vmem>> -> memref<1x3200xi32, #tpu.memory_space<vmem>>
      %swap3A_481 = tpu.memref_squeeze %swap3A_480 : memref<1x3200xi32, #tpu.memory_space<vmem>> -> memref<3200xi32, #tpu.memory_space<vmem>>
      %swap3A_482 = arith.index_cast %mul3A_479 : i32 to index
      %swap3A_483 = tpu.vector_load %swap3A_481[%swap3A_482] {strides = array<i32>} : memref<3200xi32, #tpu.memory_space<vmem>>, vector<16xi32>,
      tpu.vector_store %swap3A_481[%swap3A_482], %shift_right_logical3A_477 {strides = array<i32>} : memref<3200xi32, #tpu.memory_space<vmem>>, vector<16xi32>,
    }
    %scan3A_272 = arith.constant 200 : i32
    %dma_start3A_273 = arith.constant 1 : i32
    %dma_start3A_274 = arith.constant 1 : i32
    %dma_start3A_275 = arith.constant 0 : i32
    %dma_start3A_276 = arith.constant 0 : i32
    %dma_start3A_277 = tpu.memref_slice %arg7[%dma_start3A_274, %dma_start3A_275, %dma_start3A_276] : memref<2x3200x8xf32, #tpu.memory_space<vmem>> -> memref<1x3200x8xf32, #tpu.memory_space<vmem>>
    %dma_start3A_278 = tpu.memref_squeeze %dma_start3A_277 : memref<1x3200x8xf32, #tpu.memory_space<vmem>> -> memref<3200x8xf32, #tpu.memory_space<vmem>>
    %dma_start3A_279 = arith.constant 0 : i32
    %dma_start3A_280 = tpu.memref_slice %arg6[%dma_start3A_273, %dma_start3A_279] : memref<2x3200xi32, #tpu.memory_space<vmem>> -> memref<1x3200xi32, #tpu.memory_space<vmem>>
    %dma_start3A_281 = tpu.memref_squeeze %dma_start3A_280 : memref<1x3200xi32, #tpu.memory_space<vmem>> -> memref<3200xi32, #tpu.memory_space<vmem>>
    %dma_start3A_282 = arith.constant 0 : i32
    %dma_start3A_283 = arith.constant 0 : i32
    %dma_start3A_284 = tpu.memref_slice %arg2[%dma_start3A_282, %dma_start3A_283] : memref<250000x8xf32, #tpu.memory_space<hbm>> -> memref<250000x8xf32, #tpu.memory_space<hbm>>
    tpu.enqueue_indirect_dma source(%dma_start3A_284 : memref<250000x8xf32, #tpu.memory_space<hbm>>) target(%dma_start3A_278 : memref<3200x8xf32, #tpu.memory_space<vmem>>) offsets(%dma_start3A_281 : memref<3200xi32, #tpu.memory_space<vmem>>) semaphore(%arg9 : memref<!tpu.dma_semaphore, #tpu.memory_space<semaphore_mem>>)
    %scan3A_285 = arith.constant 0 : i32
    %scan3A_286 = arith.constant 0 : i32
    %scan3A_287 = arith.constant 0 : i32
    %scan3A_288 = arith.constant 0 : i32
    %scan3A_289 = arith.constant 400 : i32
    %scan3A_290 = arith.addi %scan3A_288, %scan3A_289 : i32
    %scan3A_291 = arith.constant 1 : i32
    scf.for %scan3A_470 = %scan3A_288 to %scan3A_290 step %scan3A_291  : i32 {
      %mul3A_471 = arith.constant 8 : i32
      %mul3A_472 = arith.muli %scan3A_470, %mul3A_471 : i32
      %shift_right_logical3A = arith.constant 1 : i32
      %shift_right_logical3A_473 = vector.broadcast %shift_right_logical3A : i32 to vector<16xi32>
      %shift_right_logical3A_474 = arith.shrui %iota3A, %shift_right_logical3A_473 : vector<16xi32>
      %add3A_475 = vector.broadcast %mul3A_472 : i32 to vector<16xi32>
      %add3A_476 = arith.addi %add3A_475, %shift_right_logical3A_474 : vector<16xi32>
      %add3A_477 = arith.constant 12800 : i32
      %add3A_478 = vector.broadcast %add3A_477 : i32 to vector<16xi32>
      %add3A_479 = arith.addi %add3A_478, %add3A_476 : vector<16xi32>
      %gather3A = tpu.vector_load_idx %arg5[%add3A_479] : memref<25600xi32, #tpu.memory_space<vmem>>[vector<16xi32>], vector<16xi32>,
      %and3A = arith.constant 3 : i32
      %and3A_480 = vector.broadcast %and3A : i32 to vector<16xi32>
      %and3A_481 = arith.andi %gather3A, %and3A_480 : vector<16xi32>
      %shift_left3A = arith.constant 1 : i32
      %shift_left3A_482 = vector.broadcast %shift_left3A : i32 to vector<16xi32>
      %shift_left3A_483 = arith.shli %and3A_481, %shift_left3A_482 : vector<16xi32>
      %and3A_484 = arith.constant 1 : i32
      %and3A_485 = vector.broadcast %and3A_484 : i32 to vector<16xi32>
      %and3A_486 = arith.andi %iota3A, %and3A_485 : vector<16xi32>
      %add3A_487 = arith.addi %shift_left3A_483, %and3A_486 : vector<16xi32>
      %gather3A_488 = arith.constant 0 : i32
      %gather3A_489 = arith.constant 0 : i32
      %gather3A_490 = tpu.memref_slice %arg7[%scan3A_286, %gather3A_488, %gather3A_489] : memref<2x3200x8xf32, #tpu.memory_space<vmem>> -> memref<1x3200x8xf32, #tpu.memory_space<vmem>>
      %gather3A_491 = tpu.memref_squeeze %gather3A_490 : memref<1x3200x8xf32, #tpu.memory_space<vmem>> -> memref<3200x8xf32, #tpu.memory_space<vmem>>
      %gather3A_492 = tpu.vector_load_idx %gather3A_491[%add3A_476, %add3A_487] : memref<3200x8xf32, #tpu.memory_space<vmem>>[vector<16xi32>, vector<16xi32>], vector<16xf32>,
      %mul3A_493 = arith.constant 16 : i32
      %mul3A_494 = arith.muli %scan3A_470, %mul3A_493 : i32
      %swap3A = arith.constant 0 : i32
      %swap3A_495 = tpu.memref_slice %arg8[%scan3A_287, %swap3A] : memref<2x6400xf32, #tpu.memory_space<vmem>> -> memref<1x6400xf32, #tpu.memory_space<vmem>>
      %swap3A_496 = tpu.memref_squeeze %swap3A_495 : memref<1x6400xf32, #tpu.memory_space<vmem>> -> memref<6400xf32, #tpu.memory_space<vmem>>
      %swap3A_497 = arith.index_cast %mul3A_494 : i32 to index
      %swap3A_498 = tpu.vector_load %swap3A_496[%swap3A_497] {strides = array<i32>} : memref<6400xf32, #tpu.memory_space<vmem>>, vector<16xf32>,
      tpu.vector_store %swap3A_496[%swap3A_497], %gather3A_492 {strides = array<i32>} : memref<6400xf32, #tpu.memory_space<vmem>>, vector<16xf32>,
    }
    %scan3A_292 = arith.constant 400 : i32
    %dma_wait3A_293 = arith.constant 1 : i32
    %dma_wait3A_294 = arith.constant 0 : i32
    %dma_wait3A_295 = tpu.memref_slice %arg8[%dma_wait3A_293, %dma_wait3A_294] : memref<2x6400xf32, #tpu.memory_space<vmem>> -> memref<1x6400xf32, #tpu.memory_space<vmem>>
    %dma_wait3A_296 = tpu.memref_squeeze %dma_wait3A_295 : memref<1x6400xf32, #tpu.memory_space<vmem>> -> memref<6400xf32, #tpu.memory_space<vmem>>
    %dma_wait3A_297 = tpu.memref_slice %arg4[%mul3A_244] : memref<1638400xf32, #tpu.memory_space<hbm>> -> memref<6400xf32, #tpu.memory_space<hbm>>
    %dma_wait3A_298 = tpu.memref_slice %arg4[%mul3A_244] : memref<1638400xf32, #tpu.memory_space<hbm>> -> memref<6400xf32, #tpu.memory_space<hbm>>
    %dma_wait3A_299 = arith.constant 0 : i32
    %dma_wait3A_300 = tpu.memref_slice %arg8[%dma_wait3A_293, %dma_wait3A_299] : memref<2x6400xf32, #tpu.memory_space<vmem>> -> memref<1x6400xf32, #tpu.memory_space<vmem>>
    %dma_wait3A_301 = tpu.memref_squeeze %dma_wait3A_300 : memref<1x6400xf32, #tpu.memory_space<vmem>> -> memref<6400xf32, #tpu.memory_space<vmem>>
    tpu.wait_dma2 semaphore(%arg10 : memref<!tpu.dma_semaphore, #tpu.memory_space<semaphore_mem>>) src(%dma_wait3A_301 : memref<6400xf32, #tpu.memory_space<vmem>>) dst(%dma_wait3A_298 : memref<6400xf32, #tpu.memory_space<hbm>>)
    %add3A_302 = arith.constant 12800 : i32
    %add3A_303 = arith.addi %mul3A_2, %add3A_302 : i32
    %mul3A_304 = arith.constant 2 : i32
    %mul3A_305 = arith.muli %mul3A_304, %add3A_303 : i32
    %dma_start3A_306 = arith.constant 0 : i32
    %dma_start3A_307 = arith.constant 0 : i32
    %dma_start3A_308 = tpu.memref_slice %arg8[%dma_start3A_306, %dma_start3A_307] : memref<2x6400xf32, #tpu.memory_space<vmem>> -> memref<1x6400xf32, #tpu.memory_space<vmem>>
    %dma_start3A_309 = tpu.memref_squeeze %dma_start3A_308 : memref<1x6400xf32, #tpu.memory_space<vmem>> -> memref<6400xf32, #tpu.memory_space<vmem>>
    %dma_start3A_310 = tpu.memref_slice %arg4[%mul3A_305] : memref<1638400xf32, #tpu.memory_space<hbm>> -> memref<6400xf32, #tpu.memory_space<hbm>>
    %dma_start3A_311 = tpu.memref_slice %arg4[%mul3A_305] : memref<1638400xf32, #tpu.memory_space<hbm>> -> memref<6400xf32, #tpu.memory_space<hbm>>
    %dma_start3A_312 = arith.constant 0 : i32
    %dma_start3A_313 = tpu.memref_slice %arg8[%dma_start3A_306, %dma_start3A_312] : memref<2x6400xf32, #tpu.memory_space<vmem>> -> memref<1x6400xf32, #tpu.memory_space<vmem>>
    %dma_start3A_314 = tpu.memref_squeeze %dma_start3A_313 : memref<1x6400xf32, #tpu.memory_space<vmem>> -> memref<6400xf32, #tpu.memory_space<vmem>>
    tpu.enqueue_dma source(%dma_start3A_314 : memref<6400xf32, #tpu.memory_space<vmem>>) target(%dma_start3A_311 : memref<6400xf32, #tpu.memory_space<hbm>>) target_semaphore(%arg10 : memref<!tpu.dma_semaphore, #tpu.memory_space<semaphore_mem>>)
    %dma_wait3A_315 = arith.constant 1 : i32
    %dma_wait3A_316 = arith.constant 1 : i32
    %dma_wait3A_317 = arith.constant 0 : i32
    %dma_wait3A_318 = arith.constant 0 : i32
    %dma_wait3A_319 = tpu.memref_slice %arg7[%dma_wait3A_316, %dma_wait3A_317, %dma_wait3A_318] : memref<2x3200x8xf32, #tpu.memory_space<vmem>> -> memref<1x3200x8xf32, #tpu.memory_space<vmem>>
    %dma_wait3A_320 = tpu.memref_squeeze %dma_wait3A_319 : memref<1x3200x8xf32, #tpu.memory_space<vmem>> -> memref<3200x8xf32, #tpu.memory_space<vmem>>
    %dma_wait3A_321 = arith.constant 0 : i32
    %dma_wait3A_322 = tpu.memref_slice %arg6[%dma_wait3A_315, %dma_wait3A_321] : memref<2x3200xi32, #tpu.memory_space<vmem>> -> memref<1x3200xi32, #tpu.memory_space<vmem>>
    %dma_wait3A_323 = tpu.memref_squeeze %dma_wait3A_322 : memref<1x3200xi32, #tpu.memory_space<vmem>> -> memref<3200xi32, #tpu.memory_space<vmem>>
    %dma_wait3A_324 = arith.constant 0 : i32
    %dma_wait3A_325 = arith.constant 0 : i32
    %dma_wait3A_326 = tpu.memref_slice %arg2[%dma_wait3A_324, %dma_wait3A_325] : memref<250000x8xf32, #tpu.memory_space<hbm>> -> memref<250000x8xf32, #tpu.memory_space<hbm>>
    tpu.wait_indirect_dma semaphore(%arg9 : memref<!tpu.dma_semaphore, #tpu.memory_space<semaphore_mem>>) src(%dma_wait3A_326 : memref<250000x8xf32, #tpu.memory_space<hbm>>) dst(%dma_wait3A_320 : memref<3200x8xf32, #tpu.memory_space<vmem>>)
    %scan3A_327 = arith.constant 0 : i32
    %scan3A_328 = arith.constant 0 : i32
    %scan3A_329 = arith.constant 0 : i32
    %scan3A_330 = arith.constant 200 : i32
    %scan3A_331 = arith.addi %scan3A_329, %scan3A_330 : i32
    %scan3A_332 = arith.constant 1 : i32
    scf.for %scan3A_470 = %scan3A_329 to %scan3A_331 step %scan3A_332  : i32 {
      %mul3A_471 = arith.constant 16 : i32
      %mul3A_472 = arith.muli %scan3A_470, %mul3A_471 : i32
      %add3A_473 = arith.constant 19200 : i32
      %add3A_474 = arith.addi %add3A_473, %mul3A_472 : i32
      %get3A = arith.index_cast %add3A_474 : i32 to index
      %get3A_475 = tpu.vector_load %arg5[%get3A] {strides = array<i32>} : memref<25600xi32, #tpu.memory_space<vmem>>, vector<16xi32>,
      %shift_right_logical3A = arith.constant 2 : i32
      %shift_right_logical3A_476 = vector.broadcast %shift_right_logical3A : i32 to vector<16xi32>
      %shift_right_logical3A_477 = arith.shrui %get3A_475, %shift_right_logical3A_476 : vector<16xi32>
      %mul3A_478 = arith.constant 16 : i32
      %mul3A_479 = arith.muli %scan3A_470, %mul3A_478 : i32
      %swap3A = arith.constant 0 : i32
      %swap3A_480 = tpu.memref_slice %arg6[%scan3A_328, %swap3A] : memref<2x3200xi32, #tpu.memory_space<vmem>> -> memref<1x3200xi32, #tpu.memory_space<vmem>>
      %swap3A_481 = tpu.memref_squeeze %swap3A_480 : memref<1x3200xi32, #tpu.memory_space<vmem>> -> memref<3200xi32, #tpu.memory_space<vmem>>
      %swap3A_482 = arith.index_cast %mul3A_479 : i32 to index
      %swap3A_483 = tpu.vector_load %swap3A_481[%swap3A_482] {strides = array<i32>} : memref<3200xi32, #tpu.memory_space<vmem>>, vector<16xi32>,
      tpu.vector_store %swap3A_481[%swap3A_482], %shift_right_logical3A_477 {strides = array<i32>} : memref<3200xi32, #tpu.memory_space<vmem>>, vector<16xi32>,
    }
    %scan3A_333 = arith.constant 200 : i32
    %dma_start3A_334 = arith.constant 0 : i32
    %dma_start3A_335 = arith.constant 0 : i32
    %dma_start3A_336 = arith.constant 0 : i32
    %dma_start3A_337 = arith.constant 0 : i32
    %dma_start3A_338 = tpu.memref_slice %arg7[%dma_start3A_335, %dma_start3A_336, %dma_start3A_337] : memref<2x3200x8xf32, #tpu.memory_space<vmem>> -> memref<1x3200x8xf32, #tpu.memory_space<vmem>>
    %dma_start3A_339 = tpu.memref_squeeze %dma_start3A_338 : memref<1x3200x8xf32, #tpu.memory_space<vmem>> -> memref<3200x8xf32, #tpu.memory_space<vmem>>
    %dma_start3A_340 = arith.constant 0 : i32
    %dma_start3A_341 = tpu.memref_slice %arg6[%dma_start3A_334, %dma_start3A_340] : memref<2x3200xi32, #tpu.memory_space<vmem>> -> memref<1x3200xi32, #tpu.memory_space<vmem>>
    %dma_start3A_342 = tpu.memref_squeeze %dma_start3A_341 : memref<1x3200xi32, #tpu.memory_space<vmem>> -> memref<3200xi32, #tpu.memory_space<vmem>>
    %dma_start3A_343 = arith.constant 0 : i32
    %dma_start3A_344 = arith.constant 0 : i32
    %dma_start3A_345 = tpu.memref_slice %arg2[%dma_start3A_343, %dma_start3A_344] : memref<250000x8xf32, #tpu.memory_space<hbm>> -> memref<250000x8xf32, #tpu.memory_space<hbm>>
    tpu.enqueue_indirect_dma source(%dma_start3A_345 : memref<250000x8xf32, #tpu.memory_space<hbm>>) target(%dma_start3A_339 : memref<3200x8xf32, #tpu.memory_space<vmem>>) offsets(%dma_start3A_342 : memref<3200xi32, #tpu.memory_space<vmem>>) semaphore(%arg9 : memref<!tpu.dma_semaphore, #tpu.memory_space<semaphore_mem>>)
    %scan3A_346 = arith.constant 0 : i32
    %scan3A_347 = arith.constant 1 : i32
    %scan3A_348 = arith.constant 1 : i32
    %scan3A_349 = arith.constant 0 : i32
    %scan3A_350 = arith.constant 400 : i32
    %scan3A_351 = arith.addi %scan3A_349, %scan3A_350 : i32
    %scan3A_352 = arith.constant 1 : i32
    scf.for %scan3A_470 = %scan3A_349 to %scan3A_351 step %scan3A_352  : i32 {
      %mul3A_471 = arith.constant 8 : i32
      %mul3A_472 = arith.muli %scan3A_470, %mul3A_471 : i32
      %shift_right_logical3A = arith.constant 1 : i32
      %shift_right_logical3A_473 = vector.broadcast %shift_right_logical3A : i32 to vector<16xi32>
      %shift_right_logical3A_474 = arith.shrui %iota3A, %shift_right_logical3A_473 : vector<16xi32>
      %add3A_475 = vector.broadcast %mul3A_472 : i32 to vector<16xi32>
      %add3A_476 = arith.addi %add3A_475, %shift_right_logical3A_474 : vector<16xi32>
      %add3A_477 = arith.constant 16000 : i32
      %add3A_478 = vector.broadcast %add3A_477 : i32 to vector<16xi32>
      %add3A_479 = arith.addi %add3A_478, %add3A_476 : vector<16xi32>
      %gather3A = tpu.vector_load_idx %arg5[%add3A_479] : memref<25600xi32, #tpu.memory_space<vmem>>[vector<16xi32>], vector<16xi32>,
      %and3A = arith.constant 3 : i32
      %and3A_480 = vector.broadcast %and3A : i32 to vector<16xi32>
      %and3A_481 = arith.andi %gather3A, %and3A_480 : vector<16xi32>
      %shift_left3A = arith.constant 1 : i32
      %shift_left3A_482 = vector.broadcast %shift_left3A : i32 to vector<16xi32>
      %shift_left3A_483 = arith.shli %and3A_481, %shift_left3A_482 : vector<16xi32>
      %and3A_484 = arith.constant 1 : i32
      %and3A_485 = vector.broadcast %and3A_484 : i32 to vector<16xi32>
      %and3A_486 = arith.andi %iota3A, %and3A_485 : vector<16xi32>
      %add3A_487 = arith.addi %shift_left3A_483, %and3A_486 : vector<16xi32>
      %gather3A_488 = arith.constant 0 : i32
      %gather3A_489 = arith.constant 0 : i32
      %gather3A_490 = tpu.memref_slice %arg7[%scan3A_347, %gather3A_488, %gather3A_489] : memref<2x3200x8xf32, #tpu.memory_space<vmem>> -> memref<1x3200x8xf32, #tpu.memory_space<vmem>>
      %gather3A_491 = tpu.memref_squeeze %gather3A_490 : memref<1x3200x8xf32, #tpu.memory_space<vmem>> -> memref<3200x8xf32, #tpu.memory_space<vmem>>
      %gather3A_492 = tpu.vector_load_idx %gather3A_491[%add3A_476, %add3A_487] : memref<3200x8xf32, #tpu.memory_space<vmem>>[vector<16xi32>, vector<16xi32>], vector<16xf32>,
      %mul3A_493 = arith.constant 16 : i32
      %mul3A_494 = arith.muli %scan3A_470, %mul3A_493 : i32
      %swap3A = arith.constant 0 : i32
      %swap3A_495 = tpu.memref_slice %arg8[%scan3A_348, %swap3A] : memref<2x6400xf32, #tpu.memory_space<vmem>> -> memref<1x6400xf32, #tpu.memory_space<vmem>>
      %swap3A_496 = tpu.memref_squeeze %swap3A_495 : memref<1x6400xf32, #tpu.memory_space<vmem>> -> memref<6400xf32, #tpu.memory_space<vmem>>
      %swap3A_497 = arith.index_cast %mul3A_494 : i32 to index
      %swap3A_498 = tpu.vector_load %swap3A_496[%swap3A_497] {strides = array<i32>} : memref<6400xf32, #tpu.memory_space<vmem>>, vector<16xf32>,
      tpu.vector_store %swap3A_496[%swap3A_497], %gather3A_492 {strides = array<i32>} : memref<6400xf32, #tpu.memory_space<vmem>>, vector<16xf32>,
    }
    %scan3A_353 = arith.constant 400 : i32
    %dma_wait3A_354 = arith.constant 0 : i32
    %dma_wait3A_355 = arith.constant 0 : i32
    %dma_wait3A_356 = tpu.memref_slice %arg8[%dma_wait3A_354, %dma_wait3A_355] : memref<2x6400xf32, #tpu.memory_space<vmem>> -> memref<1x6400xf32, #tpu.memory_space<vmem>>
    %dma_wait3A_357 = tpu.memref_squeeze %dma_wait3A_356 : memref<1x6400xf32, #tpu.memory_space<vmem>> -> memref<6400xf32, #tpu.memory_space<vmem>>
    %dma_wait3A_358 = tpu.memref_slice %arg4[%mul3A_305] : memref<1638400xf32, #tpu.memory_space<hbm>> -> memref<6400xf32, #tpu.memory_space<hbm>>
    %dma_wait3A_359 = tpu.memref_slice %arg4[%mul3A_305] : memref<1638400xf32, #tpu.memory_space<hbm>> -> memref<6400xf32, #tpu.memory_space<hbm>>
    %dma_wait3A_360 = arith.constant 0 : i32
    %dma_wait3A_361 = tpu.memref_slice %arg8[%dma_wait3A_354, %dma_wait3A_360] : memref<2x6400xf32, #tpu.memory_space<vmem>> -> memref<1x6400xf32, #tpu.memory_space<vmem>>
    %dma_wait3A_362 = tpu.memref_squeeze %dma_wait3A_361 : memref<1x6400xf32, #tpu.memory_space<vmem>> -> memref<6400xf32, #tpu.memory_space<vmem>>
    tpu.wait_dma2 semaphore(%arg10 : memref<!tpu.dma_semaphore, #tpu.memory_space<semaphore_mem>>) src(%dma_wait3A_362 : memref<6400xf32, #tpu.memory_space<vmem>>) dst(%dma_wait3A_359 : memref<6400xf32, #tpu.memory_space<hbm>>)
    %add3A_363 = arith.constant 16000 : i32
    %add3A_364 = arith.addi %mul3A_2, %add3A_363 : i32
    %mul3A_365 = arith.constant 2 : i32
    %mul3A_366 = arith.muli %mul3A_365, %add3A_364 : i32
    %dma_start3A_367 = arith.constant 1 : i32
    %dma_start3A_368 = arith.constant 0 : i32
    %dma_start3A_369 = tpu.memref_slice %arg8[%dma_start3A_367, %dma_start3A_368] : memref<2x6400xf32, #tpu.memory_space<vmem>> -> memref<1x6400xf32, #tpu.memory_space<vmem>>
    %dma_start3A_370 = tpu.memref_squeeze %dma_start3A_369 : memref<1x6400xf32, #tpu.memory_space<vmem>> -> memref<6400xf32, #tpu.memory_space<vmem>>
    %dma_start3A_371 = tpu.memref_slice %arg4[%mul3A_366] : memref<1638400xf32, #tpu.memory_space<hbm>> -> memref<6400xf32, #tpu.memory_space<hbm>>
    %dma_start3A_372 = tpu.memref_slice %arg4[%mul3A_366] : memref<1638400xf32, #tpu.memory_space<hbm>> -> memref<6400xf32, #tpu.memory_space<hbm>>
    %dma_start3A_373 = arith.constant 0 : i32
    %dma_start3A_374 = tpu.memref_slice %arg8[%dma_start3A_367, %dma_start3A_373] : memref<2x6400xf32, #tpu.memory_space<vmem>> -> memref<1x6400xf32, #tpu.memory_space<vmem>>
    %dma_start3A_375 = tpu.memref_squeeze %dma_start3A_374 : memref<1x6400xf32, #tpu.memory_space<vmem>> -> memref<6400xf32, #tpu.memory_space<vmem>>
    tpu.enqueue_dma source(%dma_start3A_375 : memref<6400xf32, #tpu.memory_space<vmem>>) target(%dma_start3A_372 : memref<6400xf32, #tpu.memory_space<hbm>>) target_semaphore(%arg10 : memref<!tpu.dma_semaphore, #tpu.memory_space<semaphore_mem>>)
    %dma_wait3A_376 = arith.constant 0 : i32
    %dma_wait3A_377 = arith.constant 0 : i32
    %dma_wait3A_378 = arith.constant 0 : i32
    %dma_wait3A_379 = arith.constant 0 : i32
    %dma_wait3A_380 = tpu.memref_slice %arg7[%dma_wait3A_377, %dma_wait3A_378, %dma_wait3A_379] : memref<2x3200x8xf32, #tpu.memory_space<vmem>> -> memref<1x3200x8xf32, #tpu.memory_space<vmem>>
    %dma_wait3A_381 = tpu.memref_squeeze %dma_wait3A_380 : memref<1x3200x8xf32, #tpu.memory_space<vmem>> -> memref<3200x8xf32, #tpu.memory_space<vmem>>
    %dma_wait3A_382 = arith.constant 0 : i32
    %dma_wait3A_383 = tpu.memref_slice %arg6[%dma_wait3A_376, %dma_wait3A_382] : memref<2x3200xi32, #tpu.memory_space<vmem>> -> memref<1x3200xi32, #tpu.memory_space<vmem>>
    %dma_wait3A_384 = tpu.memref_squeeze %dma_wait3A_383 : memref<1x3200xi32, #tpu.memory_space<vmem>> -> memref<3200xi32, #tpu.memory_space<vmem>>
    %dma_wait3A_385 = arith.constant 0 : i32
    %dma_wait3A_386 = arith.constant 0 : i32
    %dma_wait3A_387 = tpu.memref_slice %arg2[%dma_wait3A_385, %dma_wait3A_386] : memref<250000x8xf32, #tpu.memory_space<hbm>> -> memref<250000x8xf32, #tpu.memory_space<hbm>>
    tpu.wait_indirect_dma semaphore(%arg9 : memref<!tpu.dma_semaphore, #tpu.memory_space<semaphore_mem>>) src(%dma_wait3A_387 : memref<250000x8xf32, #tpu.memory_space<hbm>>) dst(%dma_wait3A_381 : memref<3200x8xf32, #tpu.memory_space<vmem>>)
    %scan3A_388 = arith.constant 0 : i32
    %scan3A_389 = arith.constant 1 : i32
    %scan3A_390 = arith.constant 0 : i32
    %scan3A_391 = arith.constant 200 : i32
    %scan3A_392 = arith.addi %scan3A_390, %scan3A_391 : i32
    %scan3A_393 = arith.constant 1 : i32
    scf.for %scan3A_470 = %scan3A_390 to %scan3A_392 step %scan3A_393  : i32 {
      %mul3A_471 = arith.constant 16 : i32
      %mul3A_472 = arith.muli %scan3A_470, %mul3A_471 : i32
      %add3A_473 = arith.constant 22400 : i32
      %add3A_474 = arith.addi %add3A_473, %mul3A_472 : i32
      %get3A = arith.index_cast %add3A_474 : i32 to index
      %get3A_475 = tpu.vector_load %arg5[%get3A] {strides = array<i32>} : memref<25600xi32, #tpu.memory_space<vmem>>, vector<16xi32>,
      %shift_right_logical3A = arith.constant 2 : i32
      %shift_right_logical3A_476 = vector.broadcast %shift_right_logical3A : i32 to vector<16xi32>
      %shift_right_logical3A_477 = arith.shrui %get3A_475, %shift_right_logical3A_476 : vector<16xi32>
      %mul3A_478 = arith.constant 16 : i32
      %mul3A_479 = arith.muli %scan3A_470, %mul3A_478 : i32
      %swap3A = arith.constant 0 : i32
      %swap3A_480 = tpu.memref_slice %arg6[%scan3A_389, %swap3A] : memref<2x3200xi32, #tpu.memory_space<vmem>> -> memref<1x3200xi32, #tpu.memory_space<vmem>>
      %swap3A_481 = tpu.memref_squeeze %swap3A_480 : memref<1x3200xi32, #tpu.memory_space<vmem>> -> memref<3200xi32, #tpu.memory_space<vmem>>
      %swap3A_482 = arith.index_cast %mul3A_479 : i32 to index
      %swap3A_483 = tpu.vector_load %swap3A_481[%swap3A_482] {strides = array<i32>} : memref<3200xi32, #tpu.memory_space<vmem>>, vector<16xi32>,
      tpu.vector_store %swap3A_481[%swap3A_482], %shift_right_logical3A_477 {strides = array<i32>} : memref<3200xi32, #tpu.memory_space<vmem>>, vector<16xi32>,
    }
    %scan3A_394 = arith.constant 200 : i32
    %dma_start3A_395 = arith.constant 1 : i32
    %dma_start3A_396 = arith.constant 1 : i32
    %dma_start3A_397 = arith.constant 0 : i32
    %dma_start3A_398 = arith.constant 0 : i32
    %dma_start3A_399 = tpu.memref_slice %arg7[%dma_start3A_396, %dma_start3A_397, %dma_start3A_398] : memref<2x3200x8xf32, #tpu.memory_space<vmem>> -> memref<1x3200x8xf32, #tpu.memory_space<vmem>>
    %dma_start3A_400 = tpu.memref_squeeze %dma_start3A_399 : memref<1x3200x8xf32, #tpu.memory_space<vmem>> -> memref<3200x8xf32, #tpu.memory_space<vmem>>
    %dma_start3A_401 = arith.constant 0 : i32
    %dma_start3A_402 = tpu.memref_slice %arg6[%dma_start3A_395, %dma_start3A_401] : memref<2x3200xi32, #tpu.memory_space<vmem>> -> memref<1x3200xi32, #tpu.memory_space<vmem>>
    %dma_start3A_403 = tpu.memref_squeeze %dma_start3A_402 : memref<1x3200xi32, #tpu.memory_space<vmem>> -> memref<3200xi32, #tpu.memory_space<vmem>>
    %dma_start3A_404 = arith.constant 0 : i32
    %dma_start3A_405 = arith.constant 0 : i32
    %dma_start3A_406 = tpu.memref_slice %arg2[%dma_start3A_404, %dma_start3A_405] : memref<250000x8xf32, #tpu.memory_space<hbm>> -> memref<250000x8xf32, #tpu.memory_space<hbm>>
    tpu.enqueue_indirect_dma source(%dma_start3A_406 : memref<250000x8xf32, #tpu.memory_space<hbm>>) target(%dma_start3A_400 : memref<3200x8xf32, #tpu.memory_space<vmem>>) offsets(%dma_start3A_403 : memref<3200xi32, #tpu.memory_space<vmem>>) semaphore(%arg9 : memref<!tpu.dma_semaphore, #tpu.memory_space<semaphore_mem>>)
    %scan3A_407 = arith.constant 0 : i32
    %scan3A_408 = arith.constant 0 : i32
    %scan3A_409 = arith.constant 0 : i32
    %scan3A_410 = arith.constant 0 : i32
    %scan3A_411 = arith.constant 400 : i32
    %scan3A_412 = arith.addi %scan3A_410, %scan3A_411 : i32
    %scan3A_413 = arith.constant 1 : i32
    scf.for %scan3A_470 = %scan3A_410 to %scan3A_412 step %scan3A_413  : i32 {
      %mul3A_471 = arith.constant 8 : i32
      %mul3A_472 = arith.muli %scan3A_470, %mul3A_471 : i32
      %shift_right_logical3A = arith.constant 1 : i32
      %shift_right_logical3A_473 = vector.broadcast %shift_right_logical3A : i32 to vector<16xi32>
      %shift_right_logical3A_474 = arith.shrui %iota3A, %shift_right_logical3A_473 : vector<16xi32>
      %add3A_475 = vector.broadcast %mul3A_472 : i32 to vector<16xi32>
      %add3A_476 = arith.addi %add3A_475, %shift_right_logical3A_474 : vector<16xi32>
      %add3A_477 = arith.constant 19200 : i32
      %add3A_478 = vector.broadcast %add3A_477 : i32 to vector<16xi32>
      %add3A_479 = arith.addi %add3A_478, %add3A_476 : vector<16xi32>
      %gather3A = tpu.vector_load_idx %arg5[%add3A_479] : memref<25600xi32, #tpu.memory_space<vmem>>[vector<16xi32>], vector<16xi32>,
      %and3A = arith.constant 3 : i32
      %and3A_480 = vector.broadcast %and3A : i32 to vector<16xi32>
      %and3A_481 = arith.andi %gather3A, %and3A_480 : vector<16xi32>
      %shift_left3A = arith.constant 1 : i32
      %shift_left3A_482 = vector.broadcast %shift_left3A : i32 to vector<16xi32>
      %shift_left3A_483 = arith.shli %and3A_481, %shift_left3A_482 : vector<16xi32>
      %and3A_484 = arith.constant 1 : i32
      %and3A_485 = vector.broadcast %and3A_484 : i32 to vector<16xi32>
      %and3A_486 = arith.andi %iota3A, %and3A_485 : vector<16xi32>
      %add3A_487 = arith.addi %shift_left3A_483, %and3A_486 : vector<16xi32>
      %gather3A_488 = arith.constant 0 : i32
      %gather3A_489 = arith.constant 0 : i32
      %gather3A_490 = tpu.memref_slice %arg7[%scan3A_408, %gather3A_488, %gather3A_489] : memref<2x3200x8xf32, #tpu.memory_space<vmem>> -> memref<1x3200x8xf32, #tpu.memory_space<vmem>>
      %gather3A_491 = tpu.memref_squeeze %gather3A_490 : memref<1x3200x8xf32, #tpu.memory_space<vmem>> -> memref<3200x8xf32, #tpu.memory_space<vmem>>
      %gather3A_492 = tpu.vector_load_idx %gather3A_491[%add3A_476, %add3A_487] : memref<3200x8xf32, #tpu.memory_space<vmem>>[vector<16xi32>, vector<16xi32>], vector<16xf32>,
      %mul3A_493 = arith.constant 16 : i32
      %mul3A_494 = arith.muli %scan3A_470, %mul3A_493 : i32
      %swap3A = arith.constant 0 : i32
      %swap3A_495 = tpu.memref_slice %arg8[%scan3A_409, %swap3A] : memref<2x6400xf32, #tpu.memory_space<vmem>> -> memref<1x6400xf32, #tpu.memory_space<vmem>>
      %swap3A_496 = tpu.memref_squeeze %swap3A_495 : memref<1x6400xf32, #tpu.memory_space<vmem>> -> memref<6400xf32, #tpu.memory_space<vmem>>
      %swap3A_497 = arith.index_cast %mul3A_494 : i32 to index
      %swap3A_498 = tpu.vector_load %swap3A_496[%swap3A_497] {strides = array<i32>} : memref<6400xf32, #tpu.memory_space<vmem>>, vector<16xf32>,
      tpu.vector_store %swap3A_496[%swap3A_497], %gather3A_492 {strides = array<i32>} : memref<6400xf32, #tpu.memory_space<vmem>>, vector<16xf32>,
    }
    %scan3A_414 = arith.constant 400 : i32
    %dma_wait3A_415 = arith.constant 1 : i32
    %dma_wait3A_416 = arith.constant 0 : i32
    %dma_wait3A_417 = tpu.memref_slice %arg8[%dma_wait3A_415, %dma_wait3A_416] : memref<2x6400xf32, #tpu.memory_space<vmem>> -> memref<1x6400xf32, #tpu.memory_space<vmem>>
    %dma_wait3A_418 = tpu.memref_squeeze %dma_wait3A_417 : memref<1x6400xf32, #tpu.memory_space<vmem>> -> memref<6400xf32, #tpu.memory_space<vmem>>
    %dma_wait3A_419 = tpu.memref_slice %arg4[%mul3A_366] : memref<1638400xf32, #tpu.memory_space<hbm>> -> memref<6400xf32, #tpu.memory_space<hbm>>
    %dma_wait3A_420 = tpu.memref_slice %arg4[%mul3A_366] : memref<1638400xf32, #tpu.memory_space<hbm>> -> memref<6400xf32, #tpu.memory_space<hbm>>
    %dma_wait3A_421 = arith.constant 0 : i32
    %dma_wait3A_422 = tpu.memref_slice %arg8[%dma_wait3A_415, %dma_wait3A_421] : memref<2x6400xf32, #tpu.memory_space<vmem>> -> memref<1x6400xf32, #tpu.memory_space<vmem>>
    %dma_wait3A_423 = tpu.memref_squeeze %dma_wait3A_422 : memref<1x6400xf32, #tpu.memory_space<vmem>> -> memref<6400xf32, #tpu.memory_space<vmem>>
    tpu.wait_dma2 semaphore(%arg10 : memref<!tpu.dma_semaphore, #tpu.memory_space<semaphore_mem>>) src(%dma_wait3A_423 : memref<6400xf32, #tpu.memory_space<vmem>>) dst(%dma_wait3A_420 : memref<6400xf32, #tpu.memory_space<hbm>>)
    %add3A_424 = arith.constant 19200 : i32
    %add3A_425 = arith.addi %mul3A_2, %add3A_424 : i32
    %mul3A_426 = arith.constant 2 : i32
    %mul3A_427 = arith.muli %mul3A_426, %add3A_425 : i32
    %dma_start3A_428 = arith.constant 0 : i32
    %dma_start3A_429 = arith.constant 0 : i32
    %dma_start3A_430 = tpu.memref_slice %arg8[%dma_start3A_428, %dma_start3A_429] : memref<2x6400xf32, #tpu.memory_space<vmem>> -> memref<1x6400xf32, #tpu.memory_space<vmem>>
    %dma_start3A_431 = tpu.memref_squeeze %dma_start3A_430 : memref<1x6400xf32, #tpu.memory_space<vmem>> -> memref<6400xf32, #tpu.memory_space<vmem>>
    %dma_start3A_432 = tpu.memref_slice %arg4[%mul3A_427] : memref<1638400xf32, #tpu.memory_space<hbm>> -> memref<6400xf32, #tpu.memory_space<hbm>>
    %dma_start3A_433 = tpu.memref_slice %arg4[%mul3A_427] : memref<1638400xf32, #tpu.memory_space<hbm>> -> memref<6400xf32, #tpu.memory_space<hbm>>
    %dma_start3A_434 = arith.constant 0 : i32
    %dma_start3A_435 = tpu.memref_slice %arg8[%dma_start3A_428, %dma_start3A_434] : memref<2x6400xf32, #tpu.memory_space<vmem>> -> memref<1x6400xf32, #tpu.memory_space<vmem>>
    %dma_start3A_436 = tpu.memref_squeeze %dma_start3A_435 : memref<1x6400xf32, #tpu.memory_space<vmem>> -> memref<6400xf32, #tpu.memory_space<vmem>>
    tpu.enqueue_dma source(%dma_start3A_436 : memref<6400xf32, #tpu.memory_space<vmem>>) target(%dma_start3A_433 : memref<6400xf32, #tpu.memory_space<hbm>>) target_semaphore(%arg10 : memref<!tpu.dma_semaphore, #tpu.memory_space<semaphore_mem>>)
    %dma_wait3A_437 = arith.constant 1 : i32
    %dma_wait3A_438 = arith.constant 1 : i32
    %dma_wait3A_439 = arith.constant 0 : i32
    %dma_wait3A_440 = arith.constant 0 : i32
    %dma_wait3A_441 = tpu.memref_slice %arg7[%dma_wait3A_438, %dma_wait3A_439, %dma_wait3A_440] : memref<2x3200x8xf32, #tpu.memory_space<vmem>> -> memref<1x3200x8xf32, #tpu.memory_space<vmem>>
    %dma_wait3A_442 = tpu.memref_squeeze %dma_wait3A_441 : memref<1x3200x8xf32, #tpu.memory_space<vmem>> -> memref<3200x8xf32, #tpu.memory_space<vmem>>
    %dma_wait3A_443 = arith.constant 0 : i32
    %dma_wait3A_444 = tpu.memref_slice %arg6[%dma_wait3A_437, %dma_wait3A_443] : memref<2x3200xi32, #tpu.memory_space<vmem>> -> memref<1x3200xi32, #tpu.memory_space<vmem>>
    %dma_wait3A_445 = tpu.memref_squeeze %dma_wait3A_444 : memref<1x3200xi32, #tpu.memory_space<vmem>> -> memref<3200xi32, #tpu.memory_space<vmem>>
    %dma_wait3A_446 = arith.constant 0 : i32
    %dma_wait3A_447 = arith.constant 0 : i32
    %dma_wait3A_448 = tpu.memref_slice %arg2[%dma_wait3A_446, %dma_wait3A_447] : memref<250000x8xf32, #tpu.memory_space<hbm>> -> memref<250000x8xf32, #tpu.memory_space<hbm>>
    tpu.wait_indirect_dma semaphore(%arg9 : memref<!tpu.dma_semaphore, #tpu.memory_space<semaphore_mem>>) src(%dma_wait3A_448 : memref<250000x8xf32, #tpu.memory_space<hbm>>) dst(%dma_wait3A_442 : memref<3200x8xf32, #tpu.memory_space<vmem>>)
    %scan3A_449 = arith.constant 0 : i32
    %scan3A_450 = arith.constant 1 : i32
    %scan3A_451 = arith.constant 1 : i32
    %scan3A_452 = arith.constant 0 : i32
    %scan3A_453 = arith.constant 400 : i32
    %scan3A_454 = arith.addi %scan3A_452, %scan3A_453 : i32
    %scan3A_455 = arith.constant 1 : i32
    scf.for %scan3A_470 = %scan3A_452 to %scan3A_454 step %scan3A_455  : i32 {
      %mul3A_471 = arith.constant 8 : i32
      %mul3A_472 = arith.muli %scan3A_470, %mul3A_471 : i32
      %shift_right_logical3A = arith.constant 1 : i32
      %shift_right_logical3A_473 = vector.broadcast %shift_right_logical3A : i32 to vector<16xi32>
      %shift_right_logical3A_474 = arith.shrui %iota3A, %shift_right_logical3A_473 : vector<16xi32>
      %add3A_475 = vector.broadcast %mul3A_472 : i32 to vector<16xi32>
      %add3A_476 = arith.addi %add3A_475, %shift_right_logical3A_474 : vector<16xi32>
      %add3A_477 = arith.constant 22400 : i32
      %add3A_478 = vector.broadcast %add3A_477 : i32 to vector<16xi32>
      %add3A_479 = arith.addi %add3A_478, %add3A_476 : vector<16xi32>
      %gather3A = tpu.vector_load_idx %arg5[%add3A_479] : memref<25600xi32, #tpu.memory_space<vmem>>[vector<16xi32>], vector<16xi32>,
      %and3A = arith.constant 3 : i32
      %and3A_480 = vector.broadcast %and3A : i32 to vector<16xi32>
      %and3A_481 = arith.andi %gather3A, %and3A_480 : vector<16xi32>
      %shift_left3A = arith.constant 1 : i32
      %shift_left3A_482 = vector.broadcast %shift_left3A : i32 to vector<16xi32>
      %shift_left3A_483 = arith.shli %and3A_481, %shift_left3A_482 : vector<16xi32>
      %and3A_484 = arith.constant 1 : i32
      %and3A_485 = vector.broadcast %and3A_484 : i32 to vector<16xi32>
      %and3A_486 = arith.andi %iota3A, %and3A_485 : vector<16xi32>
      %add3A_487 = arith.addi %shift_left3A_483, %and3A_486 : vector<16xi32>
      %gather3A_488 = arith.constant 0 : i32
      %gather3A_489 = arith.constant 0 : i32
      %gather3A_490 = tpu.memref_slice %arg7[%scan3A_450, %gather3A_488, %gather3A_489] : memref<2x3200x8xf32, #tpu.memory_space<vmem>> -> memref<1x3200x8xf32, #tpu.memory_space<vmem>>
      %gather3A_491 = tpu.memref_squeeze %gather3A_490 : memref<1x3200x8xf32, #tpu.memory_space<vmem>> -> memref<3200x8xf32, #tpu.memory_space<vmem>>
      %gather3A_492 = tpu.vector_load_idx %gather3A_491[%add3A_476, %add3A_487] : memref<3200x8xf32, #tpu.memory_space<vmem>>[vector<16xi32>, vector<16xi32>], vector<16xf32>,
      %mul3A_493 = arith.constant 16 : i32
      %mul3A_494 = arith.muli %scan3A_470, %mul3A_493 : i32
      %swap3A = arith.constant 0 : i32
      %swap3A_495 = tpu.memref_slice %arg8[%scan3A_451, %swap3A] : memref<2x6400xf32, #tpu.memory_space<vmem>> -> memref<1x6400xf32, #tpu.memory_space<vmem>>
      %swap3A_496 = tpu.memref_squeeze %swap3A_495 : memref<1x6400xf32, #tpu.memory_space<vmem>> -> memref<6400xf32, #tpu.memory_space<vmem>>
      %swap3A_497 = arith.index_cast %mul3A_494 : i32 to index
      %swap3A_498 = tpu.vector_load %swap3A_496[%swap3A_497] {strides = array<i32>} : memref<6400xf32, #tpu.memory_space<vmem>>, vector<16xf32>,
      tpu.vector_store %swap3A_496[%swap3A_497], %gather3A_492 {strides = array<i32>} : memref<6400xf32, #tpu.memory_space<vmem>>, vector<16xf32>,
    }
    %scan3A_456 = arith.constant 400 : i32
    %dma_wait3A_457 = arith.constant 0 : i32
    %dma_wait3A_458 = arith.constant 0 : i32
    %dma_wait3A_459 = tpu.memref_slice %arg8[%dma_wait3A_457, %dma_wait3A_458] : memref<2x6400xf32, #tpu.memory_space<vmem>> -> memref<1x6400xf32, #tpu.memory_space<vmem>>
    %dma_wait3A_460 = tpu.memref_squeeze %dma_wait3A_459 : memref<1x6400xf32, #tpu.memory_space<vmem>> -> memref<6400xf32, #tpu.memory_space<vmem>>
    %dma_wait3A_461 = tpu.memref_slice %arg4[%mul3A_427] : memref<1638400xf32, #tpu.memory_space<hbm>> -> memref<6400xf32, #tpu.memory_space<hbm>>
    %dma_wait3A_462 = tpu.memref_slice %arg4[%mul3A_427] : memref<1638400xf32, #tpu.memory_space<hbm>> -> memref<6400xf32, #tpu.memory_space<hbm>>
    %dma_wait3A_463 = arith.constant 0 : i32
    %dma_wait3A_464 = tpu.memref_slice %arg8[%dma_wait3A_457, %dma_wait3A_463] : memref<2x6400xf32, #tpu.memory_space<vmem>> -> memref<1x6400xf32, #tpu.memory_space<vmem>>
    %dma_wait3A_465 = tpu.memref_squeeze %dma_wait3A_464 : memref<1x6400xf32, #tpu.memory_space<vmem>> -> memref<6400xf32, #tpu.memory_space<vmem>>
    tpu.wait_dma2 semaphore(%arg10 : memref<!tpu.dma_semaphore, #tpu.memory_space<semaphore_mem>>) src(%dma_wait3A_465 : memref<6400xf32, #tpu.memory_space<vmem>>) dst(%dma_wait3A_462 : memref<6400xf32, #tpu.memory_space<hbm>>)
    %add3A_466 = arith.constant 22400 : i32
    %add3A_467 = arith.addi %mul3A_2, %add3A_466 : i32
    %mul3A_468 = arith.constant 2 : i32
    %mul3A_469 = arith.muli %mul3A_468, %add3A_467 : i32
    %run_scoped3A = arith.constant 1 : i32
    "tpu.region"() ({
      %run_scoped3A_470 = tpu.sem_alloc : memref<!tpu.dma_semaphore, #tpu.memory_space<semaphore_mem>>
      %dma_start3A_471 = arith.constant 0 : i32
      %dma_start3A_472 = tpu.memref_slice %arg8[%run_scoped3A, %dma_start3A_471] : memref<2x6400xf32, #tpu.memory_space<vmem>> -> memref<1x6400xf32, #tpu.memory_space<vmem>>
      %dma_start3A_473 = tpu.memref_squeeze %dma_start3A_472 : memref<1x6400xf32, #tpu.memory_space<vmem>> -> memref<6400xf32, #tpu.memory_space<vmem>>
      %dma_start3A_474 = tpu.memref_slice %arg4[%mul3A_469] : memref<1638400xf32, #tpu.memory_space<hbm>> -> memref<6400xf32, #tpu.memory_space<hbm>>
      %dma_start3A_475 = tpu.memref_slice %arg4[%mul3A_469] : memref<1638400xf32, #tpu.memory_space<hbm>> -> memref<6400xf32, #tpu.memory_space<hbm>>
      %dma_start3A_476 = arith.constant 0 : i32
      %dma_start3A_477 = tpu.memref_slice %arg8[%run_scoped3A, %dma_start3A_476] : memref<2x6400xf32, #tpu.memory_space<vmem>> -> memref<1x6400xf32, #tpu.memory_space<vmem>>
      %dma_start3A_478 = tpu.memref_squeeze %dma_start3A_477 : memref<1x6400xf32, #tpu.memory_space<vmem>> -> memref<6400xf32, #tpu.memory_space<vmem>>
      tpu.enqueue_dma source(%dma_start3A_478 : memref<6400xf32, #tpu.memory_space<vmem>>) target(%dma_start3A_475 : memref<6400xf32, #tpu.memory_space<hbm>>) target_semaphore(%run_scoped3A_470 : memref<!tpu.dma_semaphore, #tpu.memory_space<semaphore_mem>>)
      %dma_wait3A_479 = arith.constant 0 : i32
      %dma_wait3A_480 = tpu.memref_slice %arg8[%run_scoped3A, %dma_wait3A_479] : memref<2x6400xf32, #tpu.memory_space<vmem>> -> memref<1x6400xf32, #tpu.memory_space<vmem>>
      %dma_wait3A_481 = tpu.memref_squeeze %dma_wait3A_480 : memref<1x6400xf32, #tpu.memory_space<vmem>> -> memref<6400xf32, #tpu.memory_space<vmem>>
      %dma_wait3A_482 = tpu.memref_slice %arg4[%mul3A_469] : memref<1638400xf32, #tpu.memory_space<hbm>> -> memref<6400xf32, #tpu.memory_space<hbm>>
      %dma_wait3A_483 = tpu.memref_slice %arg4[%mul3A_469] : memref<1638400xf32, #tpu.memory_space<hbm>> -> memref<6400xf32, #tpu.memory_space<hbm>>
      %dma_wait3A_484 = arith.constant 0 : i32
      %dma_wait3A_485 = tpu.memref_slice %arg8[%run_scoped3A, %dma_wait3A_484] : memref<2x6400xf32, #tpu.memory_space<vmem>> -> memref<1x6400xf32, #tpu.memory_space<vmem>>
      %dma_wait3A_486 = tpu.memref_squeeze %dma_wait3A_485 : memref<1x6400xf32, #tpu.memory_space<vmem>> -> memref<6400xf32, #tpu.memory_space<vmem>>
      tpu.wait_dma2 semaphore(%run_scoped3A_470 : memref<!tpu.dma_semaphore, #tpu.memory_space<semaphore_mem>>) src(%dma_wait3A_486 : memref<6400xf32, #tpu.memory_space<vmem>>) dst(%dma_wait3A_483 : memref<6400xf32, #tpu.memory_space<hbm>>)
      tpu.yield
    }) : () -> ()
    return
  }
}

module attributes {stable_mosaic.version = 14 : i64} {
  func.func @_proj_body(%arg0: i32, %arg1: memref<15625x128xf32, #tpu.memory_space<vmem>>, %arg2: memref<128x128xf32, #tpu.memory_space<vmem>>, %arg3: memref<1x128xf32, #tpu.memory_space<vmem>>, %arg4: memref<15625x128xf32, #tpu.memory_space<vmem>>) attributes {dimension_semantics = [#tpu.dimension_semantics<arbitrary>], iteration_bounds = array<i64: 16>, scalar_prefetch = 0 : i64, scratch_operands = 0 : i64, tpu.core_type = #tpu.core_type<tc>, window_params = [{transform_indices = @transform_0, window_bounds = array<i64: 15625, 128>}, {transform_indices = @transform_1, window_bounds = array<i64: 128, 128>}, {pipeline_mode = #tpu.pipeline_mode<synchronous>, transform_indices = @transform_2, window_bounds = array<i64: 1, 128>}, {pipeline_mode = #tpu.pipeline_mode<synchronous>, transform_indices = @transform_3, window_bounds = array<i64: 15625, 128>}]} {
    %eq3A = arith.constant 0 : i32
    %eq3A_0 = arith.cmpi eq, %arg0, %eq3A : i32
    %convert_element_type3A = arith.extui %eq3A_0 : i1 to i32
    %cond3A = arith.constant 0 : i32
    %cond3A_1 = arith.cmpi ne, %convert_element_type3A, %cond3A : i32
    scf.if %cond3A_1 {
      %get3A_13 = arith.constant 0 : index
      %get3A_14 = arith.constant 0 : index
      %get3A_15 = vector.load %arg3[%get3A_13, %get3A_14] : memref<1x128xf32, #tpu.memory_space<vmem>>, vector<1x128xf32>
      %broadcast_in_dim3A = vector.shape_cast %get3A_15 : vector<1x128xf32> to vector<1x128xf32>
      %broadcast_in_dim3A_16 = vector.broadcast %broadcast_in_dim3A : vector<1x128xf32> to vector<15625x128xf32>
      %swap3A_17 = arith.constant 0 : index
      %swap3A_18 = arith.constant 0 : index
      %swap3A_19 = vector.load %arg4[%swap3A_17, %swap3A_18] : memref<15625x128xf32, #tpu.memory_space<vmem>>, vector<15625x128xf32>
      tpu.vector_store %arg4[%swap3A_17, %swap3A_18], %broadcast_in_dim3A_16 {strides = array<i32>} : memref<15625x128xf32, #tpu.memory_space<vmem>>, vector<15625x128xf32>,
    } else {
    }
    %get3A = arith.constant 0 : index
    %get3A_2 = arith.constant 0 : index
    %get3A_3 = vector.load %arg4[%get3A, %get3A_2] : memref<15625x128xf32, #tpu.memory_space<vmem>>, vector<15625x128xf32>
    %get3A_4 = arith.constant 0 : index
    %get3A_5 = arith.constant 0 : index
    %get3A_6 = vector.load %arg1[%get3A_4, %get3A_5] : memref<15625x128xf32, #tpu.memory_space<vmem>>, vector<15625x128xf32>
    %get3A_7 = arith.constant 0 : index
    %get3A_8 = arith.constant 0 : index
    %get3A_9 = vector.load %arg2[%get3A_7, %get3A_8] : memref<128x128xf32, #tpu.memory_space<vmem>>, vector<128x128xf32>
    %dot_general3A = arith.constant dense<0.000000e+00> : vector<15625x128xf32>
    %dot_general3A_10 = tpu.matmul %get3A_6, %get3A_9, %dot_general3A {dimension_numbers = #tpu.dot_dimension_numbers<[1], [0], [0], [1], [0, 0, 1, 1], [], []>, transpose_lhs_hint = false} : vector<15625x128xf32>, vector<128x128xf32>, vector<15625x128xf32> -> vector<15625x128xf32>
    %add3A = arith.addf %get3A_3, %dot_general3A_10 : vector<15625x128xf32>
    %swap3A = arith.constant 0 : index
    %swap3A_11 = arith.constant 0 : index
    %swap3A_12 = vector.load %arg4[%swap3A, %swap3A_11] : memref<15625x128xf32, #tpu.memory_space<vmem>>, vector<15625x128xf32>
    tpu.vector_store %arg4[%swap3A, %swap3A_11], %add3A {strides = array<i32>} : memref<15625x128xf32, #tpu.memory_space<vmem>>, vector<15625x128xf32>,
    return
  }
  func.func @transform_0(%arg0: i32) -> (i32, i32) {
    %c0_i32 = arith.constant 0 : i32
    %c0_i32_0 = arith.constant 0 : i32
    return %c0_i32, %arg0 : i32, i32
  }
  func.func @transform_1(%arg0: i32) -> (i32, i32) {
    %c0_i32 = arith.constant 0 : i32
    %c0_i32_0 = arith.constant 0 : i32
    return %arg0, %c0_i32 : i32, i32
  }
  func.func @transform_2(%arg0: i32) -> (i32, i32) {
    %c0_i32 = arith.constant 0 : i32
    %c0_i32_0 = arith.constant 0 : i32
    %c0_i32_1 = arith.constant 0 : i32
    return %c0_i32, %c0_i32_0 : i32, i32
  }
  func.func @transform_3(%arg0: i32) -> (i32, i32) {
    %c0_i32 = arith.constant 0 : i32
    %c0_i32_0 = arith.constant 0 : i32
    %c0_i32_1 = arith.constant 0 : i32
    return %c0_i32, %c0_i32_0 : i32, i32
  }
}

</mosaic_0001>

<sc_bundles>
// kernel: kernel.4.cloned.1.call-start
scs
__scs_entry_jumppad:
0x0: {  	(pc) =	sbr.rel $0x88, $3  }
0x1: {  	(tag) =	ssettag $0x0;
	lr =	simm.s32 $0x1  }
0x2: {  	[smem:$0x3F9D] =	sst lr;
	_ =	strace $0xD0000000  }
0x3: {  	_ = 	snop  }
0x4: {  	_ = 	snop  }
0x5: {  	_ = 	snop  }
0x6: {  	_ = 	snop  }
0x7: {  	_ = 	snop  }
__scs_overlays_trampoline_lowered:
0x8: {  	[smem:$0x3FAC] =	sst s0  }
0x9: {  	[smem:$0x3FAD] =	sst s1  }
0xa: {  	[smem:$0x3FAE] =	sst s2  }
0xb: {  	[smem:$0x3FAF] =	sst s3  }
0xc: {  	[smem:$0x3FB0] =	sst s4  }
0xd: {  	[smem:$0x3FB1] =	sst s5  }
0xe: {  	[smem:$0x3FB2] =	sst s6  }
0xf: {  	[smem:$0x3FB3] =	sst s7  }
0x10: {  	[smem:$0x3FB4] =	sst s8  }
0x11: {  	[smem:$0x3FB5] =	sst s9;
	s0 =	simm.s32 @!p0 $0x0  }
0x12: {  	s1 =	sld [smem:$0x3F9B];
	s0 =	simm.s32 @p0 $0x1  }
0x13: {  	[smem:$0x3FB6] =	sst s0;
	s0 =	simm.s32 @!p1 $0x0  }
0x14: {  	s2 =	sld [smem:$0x3F9A];
	s0 =	simm.s32 @p1 $0x1  }
0x15: {  	[smem:$0x3FB7] =	sst s0;
	s0 =	simm.s32 @!p2 $0x0  }
0x16: {  	s3 =	sld [smem:$0x3FDB];
	s0 =	simm.s32 @p2 $0x1  }
0x17: {  	s4 =	simm.s32 $0x1BF5;
	[smem:$0x3FB9] =	sst s0  }
0x18: {  	s0 =	sld [smem:$0x3F9C];
	_ =	swait.ge [sflag:s4], $0x0  }
0x19: {  	s7 =	sld [smem:$0x3F9D]  }
0x1a: {  	s8 =	sadd.s32 $0xFFFFE003, lr  }
0x1b: {  	s9 =	sadd.s32 $0xFFFFFEF7, lr;
	s5 =	simm.s32 $0xFFFFFFFF;
	p2 =	slt.u32 s8, $0xFFFFF086  }
0x1c: {  	p1 =	slt.u32 s9, $0xF7A;
	s5 =	simm.s32 @!p2 $0x0  }
0x1d: {  	s5 =	simm.s32 @p1 $0x1;
	p0 =	seq.s32 s7, s2  }
0x1e: {  	s7 =	smul.u32 @!p0 $0xF7A, s2;
	p2 =	seq.s32 @!p0 s5, $0x0  }
0x1f: {  	s9 =	smul.u32 $0xF7A, s1;
	s8 =	simm.s32 @!p0 $0x1BF5;
	p2 =	por !p2, p0  }
0x20: {  	[sflag:s8] =	ssyncset.s32 @!p0 $0xFFFFF086;
	s6 =	sadd.s32 @!p0 s3, s7;
	s7 =	simm.s32 @!p0 $0x108  }
0x21: {  	s3 =	sadd.s32 s3, s9;
	s6 =	sadd.s32 @!p0 $0x88, s6;
	s7 =	simm.s32 @p2 $0x1082  }
0x22: {  	[simem:s7], [sflag:s8] =	dma.local @!p0 [hbm:s6], $0xF7A  }
0x23: {  	s9 =	sor.u32 $0xD0000000, s2;
	s6 =	simm.s32 $0x108;
	_ =	swait.ge @!p0 [sflag:s8], $0x0  }
0x24: {  	s3 =	sadd.s32 $0x88, s3;
	s6 =	simm.s32 @!p1 $0x1082;
	[sflag:s4] =	ssyncset.s32 $0xFFFFF086  }
0x25: {  	[simem:s6], [sflag:s4] =	dma.local [hbm:s3], $0xF7A  }
0x26: {  	[smem:$0x3F9D] =	sst s1;
	(tag) =	ssettag s2;
	_ =	strace s9  }
0x27: {  	s1 =	sld [smem:$0x3FAD]  }
0x28: {  	s2 =	sld [smem:$0x3FAE]  }
0x29: {  	s4 =	sld [smem:$0x3FB0]  }
0x2a: {  	p0 =	seq.s32 s5, $0x0;
	s5 =	sld [smem:$0x3FB1]  }
0x2b: {  	s6 =	sld [smem:$0x3FB2]  }
0x2c: {  	s7 =	sld [smem:$0x3FB3]  }
0x2d: {  	s3 =	simm.s32 $0x108;
	s8 =	sld [smem:$0x3FB4]  }
0x2e: {  	s3 =	simm.s32 @!p0 $0x1082;
	s9 =	sld [smem:$0x3FB5]  }
0x2f: {  	lr =	sadd.s32 s0, s3;
	s0 =	sld [smem:$0x3FAC]  }
0x30: {  	s3 =	sld [smem:$0x3FAF]  }
0x31: {  	[smem:$0x3FB8] =	sst s10  }
0x32: {  	s10 =	sld [smem:$0x3FB6];
	_ =	sdelay $0x3  }
0x33: {  	p0 =	seq.s32 s10, $0x1;
	s10 =	sld [smem:$0x3FB8];
	_ =	sdelay $0x3  }
0x34: {  	[smem:$0x3FB8] =	sst s10  }
0x35: {  	s10 =	sld [smem:$0x3FB7];
	_ =	sdelay $0x3  }
0x36: {  	p1 =	seq.s32 s10, $0x1;
	s10 =	sld [smem:$0x3FB8];
	_ =	sdelay $0x3  }
0x37: {  	[smem:$0x3FB8] =	sst s10  }
0x38: {  	s10 =	sld [smem:$0x3FB9]  }
0x39: {  	_ = 	snop;
	(pc) =	sbr.ind lr, $3  }
0x3a: {  	_ = 	snop  }
0x3b: {  	_ = 	snop  }
0x3c: {  	p2 =	seq.s32 s10, $0x1;
	s10 =	sld [smem:$0x3FB8]  }
0x3d: {  	_ =	shalt  }
0x3e: {  	_ =	shalt  }
0x3f: {  	_ =	shalt  }
0x40: {  	_ =	shalt  }
0x41: {  	_ =	shalt  }
0x42: {  	_ =	shalt  }
0x43: {  	_ =	shalt  }
0x44: {  	_ =	shalt  }
0x45: {  	_ =	shalt  }
0x46: {  	_ =	shalt  }
0x47: {  	_ =	shalt  }
0x48: {  	_ =	shalt  }
0x49: {  	_ =	shalt  }
0x4a: {  	_ =	shalt  }
0x4b: {  	_ =	shalt  }
0x4c: {  	_ =	shalt  }
0x4d: {  	_ =	shalt  }
0x4e: {  	_ =	shalt  }
0x4f: {  	_ =	shalt  }
0x50: {  	_ =	shalt  }
0x51: {  	_ =	shalt  }
0x52: {  	_ =	shalt  }
0x53: {  	_ =	shalt  }
0x54: {  	_ =	shalt  }
0x55: {  	_ =	shalt  }
0x56: {  	_ =	shalt  }
0x57: {  	_ =	shalt  }
0x58: {  	_ =	shalt  }
0x59: {  	_ =	shalt  }
0x5a: {  	_ =	shalt  }
0x5b: {  	_ =	shalt  }
0x5c: {  	_ =	shalt  }
0x5d: {  	_ =	shalt  }
0x5e: {  	_ =	shalt  }
0x5f: {  	_ =	shalt  }
0x60: {  	_ =	shalt  }
0x61: {  	_ =	shalt  }
0x62: {  	_ =	shalt  }
0x63: {  	_ =	shalt  }
0x64: {  	_ =	shalt  }
0x65: {  	_ =	shalt  }
0x66: {  	_ =	shalt  }
0x67: {  	_ =	shalt  }
0x68: {  	_ =	shalt  }
0x69: {  	_ =	shalt  }
0x6a: {  	_ =	shalt  }
0x6b: {  	_ =	shalt  }
0x6c: {  	_ =	shalt  }
0x6d: {  	_ =	shalt  }
0x6e: {  	_ =	shalt  }
0x6f: {  	_ =	shalt  }
0x70: {  	_ =	shalt  }
0x71: {  	_ =	shalt  }
0x72: {  	_ =	shalt  }
0x73: {  	_ =	shalt  }
0x74: {  	_ =	shalt  }
0x75: {  	_ =	shalt  }
0x76: {  	_ =	shalt  }
0x77: {  	_ =	shalt  }
0x78: {  	_ =	shalt  }
0x79: {  	_ =	shalt  }
0x7a: {  	_ =	shalt  }
0x7b: {  	_ =	shalt  }
0x7c: {  	_ =	shalt  }
0x7d: {  	_ =	shalt  }
0x7e: {  	_ =	shalt  }
0x7f: {  	_ =	shalt  }
0x80: {  	_ =	shalt  }
0x81: {  	_ =	shalt  }
0x82: {  	_ =	shalt  }
0x83: {  	_ =	shalt  }
0x84: {  	_ =	shalt  }
0x85: {  	_ =	shalt  }
0x86: {  	_ =	shalt  }
0x87: {  	_ =	shalt  }
.Lfunc_end0:
.L_simem_size_0:
called_computation_lowered:
.L_overlay_start_0:
0x88: {  	s2 =	sld [smem:$0x3FD9]  }
0x89: {  	s3 =	sld [smem:$0x3FFE];
	_ =	sdelay $0x1  }
0x8a: {  	s1 =	srdreg.scid  }
0x8b: {  	s0 =	sand.u32 $0x1, s1  }
0x8c: {  	s17 =	sshll.u32 s0, $0xA;
	s2 =	sadd.s32 s3, s2  }
0x8d: {  	s2 =	sadd.s32 s2, s17  }
0x8e: {  	[smem:$0x3FC4] =	sst s2  }
0x8f: {  	_ = 	snop  }
0x90: {  	s2 =	sld [smem:$0x3FD0];
	(tm) =	ssettm $0x1  }
0x91: {  	s18 =	sld [smem:$0x3FFB];
	_ =	sdelay $0x3  }
0x92: {  	_ =	strace s18  }
0x93: {  	s3 =	sld [smem:$0x3FFC];
	_ =	sdelay $0x3  }
0x94: {  	_ =	strace s3  }
0x95: {  	s3 =	sld [smem:$0x3FFD];
	_ =	sdelay $0x3  }
0x96: {  	_ =	strace s3  }
0x97: {  	_ =	strace $0x8FFFFFFF  }
0x98: {  	s19 =	sld [smem:$0x3FDB];
	_ =	sdelay $0x1  }
0x99: {  	s4 =	simm.s32 $_scs_section_size  }
0x9a: {  	s5 =	simm.s32 $_size__tile_overlayer_lowered;
	s6 =	simm.s32 $_tile_overlayer_lowered  }
0x9b: {  	s22 =	simm.s32 $0x1BFF;
	s21 =	sshll.u32 s6, $0x1;
	s3 =	sadd.s32 s4, s19  }
0x9c: {  	s7 =	simm.s32 $0x0;
	s20 =	sshll.u32 s5, $0x1;
	s5 =	sadd.s32 s21, s3  }
0x9d: {  	[timem:s7], [sflag:s22] =	dma.local [hbm:s5], s20  }
0x9e: {  	_ =	swait.ge [sflag:s22], s20  }
0x9f: {  	s4 =	ssub.s32 $0x0, s20;
	[sflag:s22] =	ssyncset.done $0x0  }
0xa0: {  	[sflag:s22] =	ssyncadd.s32 s4;
	_ =	sdelay $0x1  }
0xa1: {  	s23 =	simm.s32 $0x1B8B  }
0xa2: {  	_ =	swait.ge [sflag:s23], $0x1  }
0xa3: {  	[sflag:s23] =	ssyncset.done $0x0  }
0xa4: {  	s25 =	simm.s32 $0x1B8E;
	s24 =	sld [smem:$0x3FFE];
	[sflag:s23] =	ssyncadd.s32 $0xFFFFFFFF  }
0xa5: {  	s26 =	simm.s32 $execute0_lowered;
	[smem:$0x3FD2] =	sst s25  }
0xa6: {  	s5 =	sshll.u32 s26, $0x1;
	_ =	strace $0x80000046;
	[dreg:$0x1] =	wrdreg $0xFFFFFFFF  }
0xa7: {  	s28 =	simm.s32 $_size_execute0_lowered;
	s3 =	sadd.s32 s3, s5;
	[dreg:$0x0] =	wrdreg $0x0  }
0xa8: {  	s5 =	sshll.u32 s28, $0x1;
	[dreg:$0x2] =	wrdreg s3  }
0xa9: {  	[dreg:$0x3] =	wrdreg s5  }
0xaa: {  	[dreg:$0x4] =	wrdreg $0xC0  }
0xab: {  	_ =	task [dreg:s7], $0x5FFFF  }
0xac: {  	[dreg:$0x1] =	wrdreg $0xFFFFFFFF  }
0xad: {  	[dreg:$0x0] =	wrdreg $0x60  }
0xae: {  	[dreg:$0x2] =	wrdreg s24  }
0xaf: {  	[dreg:$0x3] =	wrdreg s2  }
0xb0: {  	[dreg:$0x4] =	wrdreg $0x9  }
0xb1: {  	_ =	task.clear_ibuf [dreg:s7], $0x5FFFF;
	_ =	strace $0x90000046  }
0xb2: {  	s29 =	simm.s32 $0x9;
	_ =	strace $0x80000048  }
0xb3: {  	_ =	swait.ge [sflag:s29], $0x1  }
0xb4: {  	[sflag:s29] =	ssyncadd.s32 $0xFFFFFFFF  }
0xb5: {  	_ =	strace $0x90000048  }
0xb6: {  	_ =	sfence  }
0xb7: {  	s30 =	sld [smem:$0x0];
	_ =	sdelay $0x2  }
0xb8: {  	s31 =	sshll.u32 s1, $0xD;
	s1 =	sshrl.u32 s1, $0x2  }
0xb9: {  	s3 =	sand.u32 $0x4000, s31;
	s1 =	sadd.s32 s1, s30  }
0xba: {  	s0 =	sor.u32 s3, s0;
	s1 =	sshll.u32 s1, $0x11  }
0xbb: {  	s0 =	sor.u32 s1, s0  }
0xbc: {  	s0 =	sadd.s32 $0x8F2B, s0  }
0xbd: {  	[sflag:s0] =	ssyncadd.remote.s32 $0x1  }
0xbe: {  	_ =	sfence.sel $0xFFFF  }
0xbf: {  	[dreg:$0x0] =	wrdreg $0xFFFFFFFF;
	(pc) =	sbr.abs _section_cstart, $3  }
0xc0: {  	[dreg:$0x1] =	wrdreg $0xFFFFFFFF  }
0xc1: {  	_ =	task.clear_ibuf [dreg:s7], $0x2FFFF;
	_ =	strace $0x9FFFFFFF  }
0xc2: {  	(tm) =	ssettm $0x7FFFFFFF  }
0xc3: {  	_ =	shalt  }
tec
execute0_lowered:
.L_overlay_start_1:
0x0: {  	(tag) =	ssettag $0x1  }
0x1: {  	s4 =	rddreg [dreg:$0x0]  }
0x2: {  	s5 =	rddreg [dreg:$0x1]  }
0x3: {  	s0 =	rddreg [dreg:$0x2]  }
0x4: {  	s3 =	srdreg.scid;
	s1 =	stileid.u32;
	s2 =	simm.s32 $0x0  }
0x5: {  	s14 =	simm.s32 $0x3;
	s15 =	simm.s32 $0xC80;
	s16 =	simm.s32 $0x6400  }
0x6: {  	s17 =	simm.s32 $0x7D00;
	s18 =	simm.s32 $0x1;
	s19 =	simm.s32 $0x7080  }
0x7: {  	s20 =	simm.s32 $0xE100;
	s21 =	simm.s32 $0x14500;
	s22 =	simm.s32 $0x2  }
0x8: {  	s23 =	simm.s32 $0x15E00;
	s6 =	sand.u32 $0x1, s3;
	s31 =	sshll.u32 s1, $0x1  }
0x9: {  	s24 =	simm.s32 $0x0;
	[smem:$0x7FF] =	sst s2;
	s7 =	sor.u32 s6, s31  }
0xa: {  	s3 =	sadd.s32 $0x19C00, s4;
	s6 =	ssub.s32 $0x2, s6;
	s8 =	smul.u32 $0xC800, s7  }
0xb: {  	_ =	strace $0x80000047;
	s9 =	smul.u32 $0xC80, s7;
	s10 =	sshrl.u32 s6, $0x1  }
0xc: {  	v1 =	vlaneseq.u32;
	s7 =	smul.u32 $0x1900, s7;
	s13 =	ssub.s32 s6, s10;
	s8 =	sshrl.u32 s8, $0x3  }
0xd: {  	v0 =	vshrl.u32 v1, $0x1;
	s4 =	sadd.s32 s9, s4;
	s13 =	smax.u32 s13, $0x1;
	s12 =	sadd.s32 s5, s8  }
0xe: {  	v1 =	vand.u32 $0x1, v1;
	v2 =	vor.u32 $0xC80, v0;
	v3 =	vmul.u32 $0x8, v0;
	s4 =	sadd.s32 $0xC00, s4;
	s5 =	sadd.s32 s5, s7;
	s6 =	sadd.s32 $0x320, s12  }
0xf: {  	v4 =	vor.u32 $0x1900, v0;
	v5 =	vor.u32 $0x2580, v0;
	v6 =	vor.u32 $0x3200, v0;
	s7 =	sadd.s32 $0x640, s12;
	s8 =	sadd.s32 $0x960, s12;
	s9 =	sadd.s32 $0xC80, s12  }
0x10: {  	v7 =	vor.u32 $0x3E80, v0;
	v8 =	vor.u32 $0x4B00, v0;
	v9 =	vor.u32 $0x5780, v0;
	s10 =	sadd.s32 $0xFA0, s12;
	s11 =	sadd.s32 $0x12C0, s12;
	s12 =	sadd.s32 $0x15E0, s12  }
.LBB2_1:
0x11: {  	[tilespmem:s2], [sflag:$0x3] =	stream.linear.gather [hbm4b:s4+s2], $0x6400, $0x38;
	[tilespmem:$0x17700] =	vst v63  }
0x12: {  	_ =	swait.ge [sflag:s14], $0x6400  }
0x13: {  	[sflag:s14] =	ssyncset.done $0x0  }
0x14: {  	s25 =	simm.s32 $0x0;
	[sflag:s14] =	ssyncadd.s32 $0xFFFF9C00  }
0x15: {  	s26 =	simm.s32 $0x40;
	v10 =	vld [tilespmem:s25+$0x0]  }
.LBB2_2:
0x16: {  	p0 =	sne.s32 s26, $0x31C0  }
.Ltmp0:
0x17: {  	_ = 	snop;
	(pc) =	sbr.rel @p0 .LBB2_2-.Ltmp0, $3  }
0x18: {  	_ =	sdelay $0x1  }
0x19: {  	s28 =	sshra.s32 s26, $0x2;
	s26 =	sadd.s32 $0x40, s26;
	v11 =	vshrl.u32 v10, $0x2  }
0x1a: {  	v10 =	vld [tilespmem:s28+$0x0];
	[tilespmem:s25+$0x6400] =	vst v11;
	s25 =	smov.u32 s28  }
0x1b: {  	_ =	sdelay $0x3  }
0x1c: {  	v10 =	vshrl.u32 v10, $0x2  }
0x1d: {  	[tilespmem:s25+$0x6400] =	vst v10  }
0x1e: {  	[tilespmem:s17], [sflag:$0x1] =	stream.indirect.gather [hbm4b:s3+s15], $0x8, s16, s15, $0xb8;
	[tilespmem:$0x17700] =	vst v63  }
0x1f: {  	_ =	swait.ge [sflag:s18], $0x6400  }
0x20: {  	[sflag:s18] =	ssyncset.done $0x0  }
0x21: {  	s25 =	simm.s32 $0x0;
	[sflag:s18] =	ssyncadd.s32 $0xFFFF9C00  }
0x22: {  	s26 =	simm.s32 $0x40;
	v10 =	vld [tilespmem:s25+$0xC80]  }
.LBB2_4:
0x23: {  	p0 =	sne.s32 s26, $0x31C0  }
.Ltmp1:
0x24: {  	_ = 	snop;
	(pc) =	sbr.rel @p0 .LBB2_4-.Ltmp1, $3  }
0x25: {  	_ =	sdelay $0x1  }
0x26: {  	s28 =	sshra.s32 s26, $0x2;
	s26 =	sadd.s32 $0x40, s26;
	v11 =	vshrl.u32 v10, $0x2  }
0x27: {  	v10 =	vld [tilespmem:s28+$0xC80];
	[tilespmem:s25+$0x7080] =	vst v11;
	s25 =	smov.u32 s28  }
0x28: {  	_ = 	snop  }
0x29: {  	s26 =	simm.s32 $0x0  }
0x2a: {  	v11 =	vor.u32 s26, v0;
	_ =	sdelay $0x1  }
0x2b: {  	v10 =	vshrl.u32 v10, $0x2  }
0x2c: {  	[tilespmem:s25+$0x7080] =	vst v10  }
0x2d: {  	[tilespmem:s20], [sflag:$0x1] =	stream.indirect.gather [hbm4b:s3+s15], $0x8, s19, s15, $0xb8;
	[tilespmem:$0x17700] =	vst v63  }
0x2e: {  	v10 =	vld.idx.msk [tilespmem:v11+s2+$0x0], $0xffff;
	_ =	sdelay $0x4  }
0x2f: {  	v10 =	vshll.u32 v10, $0x1  }
0x30: {  	v11 =	vshll.u32 v11, $0x3;
	v10 =	vand.u32 $0x6, v10  }
0x31: {  	v10 =	vor.u32 v11, v10  }
0x32: {  	v10 =	vor.u32 v1, v10;
	_ =	sdelay $0x4  }
0x33: {  	s30 =	simm.s32 $0x8;
	v10 =	vld.idx.msk [tilespmem:v10+s17+$0x0], $0xffff  }
0x34: {  	v11 =	vor.u32 s30, v0;
	_ =	sdelay $0x2  }
0x35: {  	s25 =	simm.s32 $0x14500  }
0x36: {  	[tilespmem:s25+$0x0] =	vst v10  }
0x37: {  	v10 =	vld.idx.msk [tilespmem:v11+s2+$0x0], $0xffff;
	_ =	sdelay $0x4  }
0x38: {  	v10 =	vshll.u32 v10, $0x1  }
0x39: {  	v11 =	vshll.u32 v11, $0x3;
	v10 =	vand.u32 $0x6, v10  }
0x3a: {  	v10 =	vor.u32 v11, v10  }
0x3b: {  	v10 =	vor.u32 v1, v10;
	_ =	sdelay $0x4  }
0x3c: {  	s31 =	simm.s32 $0x10;
	v11 =	vld.idx.msk [tilespmem:v10+s17+$0x0], $0xffff  }
0x3d: {  	s26 =	simm.s32 $0x18;
	v10 =	vor.u32 s31, v0  }
.LBB2_6:
0x3e: {  	p0 =	sne.s32 s26, $0xC78;
	_ =	sdelay $0x1  }
0x3f: {  	s25 =	sadd.s32 $0x10, s25  }
0x40: {  	[tilespmem:s25+$0x0] =	vst v11  }
0x41: {  	v11 =	vld.idx.msk [tilespmem:v10+s2+$0x0], $0xffff;
	_ =	sdelay $0x5  }
0x42: {  	v11 =	vshll.u32 v11, $0x1  }
0x43: {  	v10 =	vshll.u32 v10, $0x3;
	v11 =	vand.u32 $0x6, v11  }
0x44: {  	v10 =	vor.u32 v10, v11  }
0x45: {  	v10 =	vor.u32 v1, v10;
	_ =	sdelay $0x2  }
.Ltmp2:
0x46: {  	(pc) =	sbr.rel @p0 .LBB2_6-.Ltmp2, $3  }
0x47: {  	_ = 	snop  }
0x48: {  	v11 =	vld.idx.msk [tilespmem:v10+s17+$0x0], $0xffff;
	_ =	sdelay $0x1  }
0x49: {  	v10 =	vor.u32 s26, v0;
	s26 =	sadd.s32 $0x8, s26  }
0x4a: {  	_ =	sdelay $0x1  }
0x4b: {  	s25 =	sadd.s32 $0x10, s25  }
0x4c: {  	[tilespmem:s25+$0x0] =	vst v11  }
0x4d: {  	v11 =	vld.idx.msk [tilespmem:v10+s2+$0x0], $0xffff;
	_ =	sdelay $0x4  }
0x4e: {  	v11 =	vshll.u32 v11, $0x1  }
0x4f: {  	v10 =	vshll.u32 v10, $0x3;
	v11 =	vand.u32 $0x6, v11  }
0x50: {  	v10 =	vor.u32 v10, v11  }
0x51: {  	v10 =	vor.u32 v1, v10;
	_ =	sdelay $0x4  }
0x52: {  	v10 =	vld.idx.msk [tilespmem:v10+s17+$0x0], $0xffff;
	_ =	sdelay $0x3  }
0x53: {  	s25 =	sadd.s32 $0x10, s25  }
0x54: {  	s31 =	simm.s32 $0x0;
	[tilespmem:s25+$0x0] =	vst v10  }
0x55: {  	[hbm4b:s5+s31] =	stream.linear.scatter [tilespmem:s21], [sflag:$0x2], $0x1900, $0x38;
	[tilespmem:$0x17700] =	vst v63  }
0x56: {  	_ =	swait.ge [sflag:s18], $0x6400  }
0x57: {  	[sflag:s18] =	ssyncset.done $0x0  }
0x58: {  	s25 =	simm.s32 $0x0;
	[sflag:s18] =	ssyncadd.s32 $0xFFFF9C00  }
0x59: {  	s26 =	simm.s32 $0x40;
	v10 =	vld [tilespmem:s25+$0x1900]  }
.LBB2_8:
0x5a: {  	p0 =	sne.s32 s26, $0x31C0  }
.Ltmp3:
0x5b: {  	_ = 	snop;
	(pc) =	sbr.rel @p0 .LBB2_8-.Ltmp3, $3  }
0x5c: {  	_ =	sdelay $0x1  }
0x5d: {  	s28 =	sshra.s32 s26, $0x2;
	s26 =	sadd.s32 $0x40, s26;
	v11 =	vshrl.u32 v10, $0x2  }
0x5e: {  	v10 =	vld [tilespmem:s28+$0x1900];
	[tilespmem:s25+$0x6400] =	vst v11;
	s25 =	smov.u32 s28  }
0x5f: {  	s26 =	simm.s32 $0x0  }
0x60: {  	v11 =	vadd.s32 s26, v2  }
0x61: {  	v11 =	vand.u32 $0x1FF8, v11  }
0x62: {  	v11 =	vor.u32 v0, v11;
	_ =	sdelay $0x1  }
0x63: {  	v10 =	vshrl.u32 v10, $0x2  }
0x64: {  	[tilespmem:s25+$0x6400] =	vst v10  }
0x65: {  	[tilespmem:s17], [sflag:$0x1] =	stream.indirect.gather [hbm4b:s3+s15], $0x8, s16, s15, $0xb8;
	[tilespmem:$0x17700] =	vst v63  }
0x66: {  	v10 =	vld.idx.msk [tilespmem:v11+s2+$0x0], $0xffff;
	_ =	sdelay $0x3  }
0x67: {  	v11 =	vmov s26  }
0x68: {  	v11 =	vshll.u32 v11, $0x3;
	v10 =	vshll.u32 v10, $0x1  }
0x69: {  	v11 =	vor.u32 v3, v11;
	v10 =	vand.u32 $0x6, v10  }
0x6a: {  	v10 =	vor.u32 v11, v10  }
0x6b: {  	v10 =	vor.u32 v1, v10;
	_ =	sdelay $0x2  }
0x6c: {  	s31 =	simm.s32 $0x8  }
0x6d: {  	v11 =	vadd.s32 s31, v2  }
0x6e: {  	v11 =	vand.u32 $0x1FF8, v11;
	v10 =	vld.idx.msk [tilespmem:v10+s20+$0x0], $0xffff  }
0x6f: {  	v11 =	vor.u32 v0, v11;
	_ =	sdelay $0x2  }
0x70: {  	s25 =	simm.s32 $0x15E00  }
0x71: {  	[tilespmem:s25+$0x0] =	vst v10  }
0x72: {  	v10 =	vld.idx.msk [tilespmem:v11+s2+$0x0], $0xffff;
	_ =	sdelay $0x3  }
0x73: {  	v11 =	vmov s31  }
0x74: {  	v11 =	vshll.u32 v11, $0x3;
	v10 =	vshll.u32 v10, $0x1  }
0x75: {  	v11 =	vor.u32 v3, v11;
	v10 =	vand.u32 $0x6, v10  }
0x76: {  	v10 =	vor.u32 v11, v10  }
0x77: {  	v10 =	vor.u32 v1, v10;
	_ =	sdelay $0x3  }
0x78: {  	s26 =	simm.s32 $0x10  }
0x79: {  	s28 =	simm.s32 $0x18;
	v11 =	vadd.s32 s26, v2;
	v10 =	vld.idx.msk [tilespmem:v10+s20+$0x0], $0xffff  }
.LBB2_10:
0x7a: {  	p0 =	sne.s32 s28, $0xC78;
	v11 =	vand.u32 $0x1FF8, v11  }
0x7b: {  	v11 =	vor.u32 v0, v11;
	_ =	sdelay $0x2  }
0x7c: {  	s25 =	sadd.s32 $0x10, s25  }
0x7d: {  	[tilespmem:s25+$0x0] =	vst v10  }
0x7e: {  	v10 =	vld.idx.msk [tilespmem:v11+s2+$0x0], $0xffff;
	_ =	sdelay $0x4  }
0x7f: {  	v11 =	vmov s26;
	s26 =	smov.u32 s28  }
0x80: {  	v11 =	vshll.u32 v11, $0x3;
	v10 =	vshll.u32 v10, $0x1  }
0x81: {  	v11 =	vor.u32 v3, v11;
	v10 =	vand.u32 $0x6, v10  }
0x82: {  	v10 =	vor.u32 v11, v10  }
0x83: {  	v10 =	vor.u32 v1, v10  }
.Ltmp4:
0x84: {  	(pc) =	sbr.rel @p0 .LBB2_10-.Ltmp4, $2  }
0x85: {  	_ =	sdelay $0x2  }
0x86: {  	s28 =	sadd.s32 $0x8, s28;
	v11 =	vadd.s32 s26, v2;
	v10 =	vld.idx.msk [tilespmem:v10+s20+$0x0], $0xffff  }
0x87: {  	v11 =	vand.u32 $0x1FF8, v11  }
0x88: {  	v11 =	vor.u32 v0, v11;
	_ =	sdelay $0x2  }
0x89: {  	s25 =	sadd.s32 $0x10, s25  }
0x8a: {  	[tilespmem:s25+$0x0] =	vst v10  }
0x8b: {  	v10 =	vld.idx.msk [tilespmem:v11+s2+$0x0], $0xffff;
	_ =	sdelay $0x3  }
0x8c: {  	v11 =	vmov s26  }
0x8d: {  	v11 =	vshll.u32 v11, $0x3;
	v10 =	vshll.u32 v10, $0x1  }
0x8e: {  	v11 =	vor.u32 v3, v11;
	v10 =	vand.u32 $0x6, v10  }
0x8f: {  	v10 =	vor.u32 v11, v10  }
0x90: {  	v10 =	vor.u32 v1, v10;
	_ =	sdelay $0x4  }
0x91: {  	v10 =	vld.idx.msk [tilespmem:v10+s20+$0x0], $0xffff;
	_ =	sdelay $0x3  }
0x92: {  	s25 =	sadd.s32 $0x10, s25  }
0x93: {  	[tilespmem:s25+$0x0] =	vst v10  }
0x94: {  	_ =	swait.ge [sflag:s22], $0x1900  }
0x95: {  	[sflag:s22] =	ssyncset.done $0x0  }
0x96: {  	s31 =	simm.s32 $0x0;
	[sflag:s22] =	ssyncadd.s32 $0xFFFFE700  }
0x97: {  	[hbm4b:s6+s31] =	stream.linear.scatter [tilespmem:s23], [sflag:$0x2], $0x1900, $0x38;
	[tilespmem:$0x17700] =	vst v63  }
0x98: {  	_ =	swait.ge [sflag:s18], $0x6400  }
0x99: {  	[sflag:s18] =	ssyncset.done $0x0  }
0x9a: {  	s25 =	simm.s32 $0x0;
	[sflag:s18] =	ssyncadd.s32 $0xFFFF9C00  }
0x9b: {  	s26 =	simm.s32 $0x40;
	v10 =	vld [tilespmem:s25+$0x2580]  }
.LBB2_12:
0x9c: {  	p0 =	sne.s32 s26, $0x31C0  }
.Ltmp5:
0x9d: {  	_ = 	snop;
	(pc) =	sbr.rel @p0 .LBB2_12-.Ltmp5, $3  }
0x9e: {  	_ =	sdelay $0x1  }
0x9f: {  	s28 =	sshra.s32 s26, $0x2;
	s26 =	sadd.s32 $0x40, s26;
	v11 =	vshrl.u32 v10, $0x2  }
0xa0: {  	v10 =	vld [tilespmem:s28+$0x2580];
	[tilespmem:s25+$0x7080] =	vst v11;
	s25 =	smov.u32 s28  }
0xa1: {  	s26 =	simm.s32 $0x0  }
0xa2: {  	v11 =	vadd.s32 s26, v4  }
0xa3: {  	v11 =	vand.u32 $0x3FF8, v11  }
0xa4: {  	v11 =	vor.u32 v0, v11;
	_ =	sdelay $0x1  }
0xa5: {  	v10 =	vshrl.u32 v10, $0x2  }
0xa6: {  	[tilespmem:s25+$0x7080] =	vst v10  }
0xa7: {  	[tilespmem:s20], [sflag:$0x1] =	stream.indirect.gather [hbm4b:s3+s15], $0x8, s19, s15, $0xb8;
	[tilespmem:$0x17700] =	vst v63  }
0xa8: {  	v10 =	vld.idx.msk [tilespmem:v11+s2+$0x0], $0xffff;
	_ =	sdelay $0x3  }
0xa9: {  	v11 =	vmov s26  }
0xaa: {  	v11 =	vshll.u32 v11, $0x3;
	v10 =	vshll.u32 v10, $0x1  }
0xab: {  	v11 =	vor.u32 v3, v11;
	v10 =	vand.u32 $0x6, v10  }
0xac: {  	v10 =	vor.u32 v11, v10  }
0xad: {  	v10 =	vor.u32 v1, v10;
	_ =	sdelay $0x2  }
0xae: {  	s31 =	simm.s32 $0x8  }
0xaf: {  	v11 =	vadd.s32 s31, v4  }
0xb0: {  	v11 =	vand.u32 $0x3FF8, v11;
	v10 =	vld.idx.msk [tilespmem:v10+s17+$0x0], $0xffff  }
0xb1: {  	v11 =	vor.u32 v0, v11;
	_ =	sdelay $0x2  }
0xb2: {  	s25 =	simm.s32 $0x14500  }
0xb3: {  	[tilespmem:s25+$0x0] =	vst v10  }
0xb4: {  	v10 =	vld.idx.msk [tilespmem:v11+s2+$0x0], $0xffff;
	_ =	sdelay $0x3  }
0xb5: {  	v11 =	vmov s31  }
0xb6: {  	v11 =	vshll.u32 v11, $0x3;
	v10 =	vshll.u32 v10, $0x1  }
0xb7: {  	v11 =	vor.u32 v3, v11;
	v10 =	vand.u32 $0x6, v10  }
0xb8: {  	v10 =	vor.u32 v11, v10  }
0xb9: {  	v10 =	vor.u32 v1, v10;
	_ =	sdelay $0x3  }
0xba: {  	s26 =	simm.s32 $0x10  }
0xbb: {  	s28 =	simm.s32 $0x18;
	v11 =	vadd.s32 s26, v4;
	v10 =	vld.idx.msk [tilespmem:v10+s17+$0x0], $0xffff  }
.LBB2_14:
0xbc: {  	p0 =	sne.s32 s28, $0xC78;
	v11 =	vand.u32 $0x3FF8, v11  }
0xbd: {  	v11 =	vor.u32 v0, v11;
	_ =	sdelay $0x2  }
0xbe: {  	s25 =	sadd.s32 $0x10, s25  }
0xbf: {  	[tilespmem:s25+$0x0] =	vst v10  }
0xc0: {  	v10 =	vld.idx.msk [tilespmem:v11+s2+$0x0], $0xffff;
	_ =	sdelay $0x4  }
0xc1: {  	v11 =	vmov s26;
	s26 =	smov.u32 s28  }
0xc2: {  	v11 =	vshll.u32 v11, $0x3;
	v10 =	vshll.u32 v10, $0x1  }
0xc3: {  	v11 =	vor.u32 v3, v11;
	v10 =	vand.u32 $0x6, v10  }
0xc4: {  	v10 =	vor.u32 v11, v10  }
0xc5: {  	v10 =	vor.u32 v1, v10  }
.Ltmp6:
0xc6: {  	(pc) =	sbr.rel @p0 .LBB2_14-.Ltmp6, $2  }
0xc7: {  	_ =	sdelay $0x2  }
0xc8: {  	s28 =	sadd.s32 $0x8, s28;
	v11 =	vadd.s32 s26, v4;
	v10 =	vld.idx.msk [tilespmem:v10+s17+$0x0], $0xffff  }
0xc9: {  	v11 =	vand.u32 $0x3FF8, v11  }
0xca: {  	v11 =	vor.u32 v0, v11;
	_ =	sdelay $0x2  }
0xcb: {  	s25 =	sadd.s32 $0x10, s25  }
0xcc: {  	[tilespmem:s25+$0x0] =	vst v10  }
0xcd: {  	v10 =	vld.idx.msk [tilespmem:v11+s2+$0x0], $0xffff;
	_ =	sdelay $0x3  }
0xce: {  	v11 =	vmov s26  }
0xcf: {  	v11 =	vshll.u32 v11, $0x3;
	v10 =	vshll.u32 v10, $0x1  }
0xd0: {  	v11 =	vor.u32 v3, v11;
	v10 =	vand.u32 $0x6, v10  }
0xd1: {  	v10 =	vor.u32 v11, v10  }
0xd2: {  	v10 =	vor.u32 v1, v10;
	_ =	sdelay $0x4  }
0xd3: {  	v10 =	vld.idx.msk [tilespmem:v10+s17+$0x0], $0xffff;
	_ =	sdelay $0x3  }
0xd4: {  	s25 =	sadd.s32 $0x10, s25  }
0xd5: {  	[tilespmem:s25+$0x0] =	vst v10  }
0xd6: {  	_ =	swait.ge [sflag:s22], $0x1900  }
0xd7: {  	[sflag:s22] =	ssyncset.done $0x0  }
0xd8: {  	s31 =	simm.s32 $0x0;
	[sflag:s22] =	ssyncadd.s32 $0xFFFFE700  }
0xd9: {  	[hbm4b:s7+s31] =	stream.linear.scatter [tilespmem:s21], [sflag:$0x2], $0x1900, $0x38;
	[tilespmem:$0x17700] =	vst v63  }
0xda: {  	_ =	swait.ge [sflag:s18], $0x6400  }
0xdb: {  	[sflag:s18] =	ssyncset.done $0x0  }
0xdc: {  	s25 =	simm.s32 $0x0;
	[sflag:s18] =	ssyncadd.s32 $0xFFFF9C00  }
0xdd: {  	s26 =	simm.s32 $0x40;
	v10 =	vld [tilespmem:s25+$0x3200]  }
.LBB2_16:
0xde: {  	p0 =	sne.s32 s26, $0x31C0  }
.Ltmp7:
0xdf: {  	_ = 	snop;
	(pc) =	sbr.rel @p0 .LBB2_16-.Ltmp7, $3  }
0xe0: {  	_ =	sdelay $0x1  }
0xe1: {  	s28 =	sshra.s32 s26, $0x2;
	s26 =	sadd.s32 $0x40, s26;
	v11 =	vshrl.u32 v10, $0x2  }
0xe2: {  	v10 =	vld [tilespmem:s28+$0x3200];
	[tilespmem:s25+$0x6400] =	vst v11;
	s25 =	smov.u32 s28  }
0xe3: {  	s26 =	simm.s32 $0x0  }
0xe4: {  	v11 =	vadd.s32 s26, v5  }
0xe5: {  	v11 =	vand.u32 $0x3FF8, v11  }
0xe6: {  	v11 =	vor.u32 v0, v11;
	_ =	sdelay $0x1  }
0xe7: {  	v10 =	vshrl.u32 v10, $0x2  }
0xe8: {  	[tilespmem:s25+$0x6400] =	vst v10  }
0xe9: {  	[tilespmem:s17], [sflag:$0x1] =	stream.indirect.gather [hbm4b:s3+s15], $0x8, s16, s15, $0xb8;
	[tilespmem:$0x17700] =	vst v63  }
0xea: {  	v10 =	vld.idx.msk [tilespmem:v11+s2+$0x0], $0xffff;
	_ =	sdelay $0x3  }
0xeb: {  	v11 =	vmov s26  }
0xec: {  	v11 =	vshll.u32 v11, $0x3;
	v10 =	vshll.u32 v10, $0x1  }
0xed: {  	v11 =	vor.u32 v3, v11;
	v10 =	vand.u32 $0x6, v10  }
0xee: {  	v10 =	vor.u32 v11, v10  }
0xef: {  	v10 =	vor.u32 v1, v10;
	_ =	sdelay $0x2  }
0xf0: {  	s31 =	simm.s32 $0x8  }
0xf1: {  	v11 =	vadd.s32 s31, v5  }
0xf2: {  	v11 =	vand.u32 $0x3FF8, v11;
	v10 =	vld.idx.msk [tilespmem:v10+s20+$0x0], $0xffff  }
0xf3: {  	v11 =	vor.u32 v0, v11;
	_ =	sdelay $0x2  }
0xf4: {  	s25 =	simm.s32 $0x15E00  }
0xf5: {  	[tilespmem:s25+$0x0] =	vst v10  }
0xf6: {  	v10 =	vld.idx.msk [tilespmem:v11+s2+$0x0], $0xffff;
	_ =	sdelay $0x3  }
0xf7: {  	v11 =	vmov s31  }
0xf8: {  	v11 =	vshll.u32 v11, $0x3;
	v10 =	vshll.u32 v10, $0x1  }
0xf9: {  	v11 =	vor.u32 v3, v11;
	v10 =	vand.u32 $0x6, v10  }
0xfa: {  	v10 =	vor.u32 v11, v10  }
0xfb: {  	v10 =	vor.u32 v1, v10;
	_ =	sdelay $0x3  }
0xfc: {  	s26 =	simm.s32 $0x10  }
0xfd: {  	s28 =	simm.s32 $0x18;
	v11 =	vadd.s32 s26, v5;
	v10 =	vld.idx.msk [tilespmem:v10+s20+$0x0], $0xffff  }
.LBB2_18:
0xfe: {  	p0 =	sne.s32 s28, $0xC78;
	v11 =	vand.u32 $0x3FF8, v11  }
0xff: {  	v11 =	vor.u32 v0, v11;
	_ =	sdelay $0x2  }
0x100: {  	s25 =	sadd.s32 $0x10, s25  }
0x101: {  	[tilespmem:s25+$0x0] =	vst v10  }
0x102: {  	v10 =	vld.idx.msk [tilespmem:v11+s2+$0x0], $0xffff;
	_ =	sdelay $0x4  }
0x103: {  	v11 =	vmov s26;
	s26 =	smov.u32 s28  }
0x104: {  	v11 =	vshll.u32 v11, $0x3;
	v10 =	vshll.u32 v10, $0x1  }
0x105: {  	v11 =	vor.u32 v3, v11;
	v10 =	vand.u32 $0x6, v10  }
0x106: {  	v10 =	vor.u32 v11, v10  }
0x107: {  	v10 =	vor.u32 v1, v10  }
.Ltmp8:
0x108: {  	(pc) =	sbr.rel @p0 .LBB2_18-.Ltmp8, $2  }
0x109: {  	_ =	sdelay $0x2  }
0x10a: {  	s28 =	sadd.s32 $0x8, s28;
	v11 =	vadd.s32 s26, v5;
	v10 =	vld.idx.msk [tilespmem:v10+s20+$0x0], $0xffff  }
0x10b: {  	v11 =	vand.u32 $0x3FF8, v11  }
0x10c: {  	v11 =	vor.u32 v0, v11;
	_ =	sdelay $0x2  }
0x10d: {  	s25 =	sadd.s32 $0x10, s25  }
0x10e: {  	[tilespmem:s25+$0x0] =	vst v10  }
0x10f: {  	v10 =	vld.idx.msk [tilespmem:v11+s2+$0x0], $0xffff;
	_ =	sdelay $0x3  }
0x110: {  	v11 =	vmov s26  }
0x111: {  	v11 =	vshll.u32 v11, $0x3;
	v10 =	vshll.u32 v10, $0x1  }
0x112: {  	v11 =	vor.u32 v3, v11;
	v10 =	vand.u32 $0x6, v10  }
0x113: {  	v10 =	vor.u32 v11, v10  }
0x114: {  	v10 =	vor.u32 v1, v10;
	_ =	sdelay $0x4  }
0x115: {  	v10 =	vld.idx.msk [tilespmem:v10+s20+$0x0], $0xffff;
	_ =	sdelay $0x3  }
0x116: {  	s25 =	sadd.s32 $0x10, s25  }
0x117: {  	[tilespmem:s25+$0x0] =	vst v10  }
0x118: {  	_ =	swait.ge [sflag:s22], $0x1900  }
0x119: {  	[sflag:s22] =	ssyncset.done $0x0  }
0x11a: {  	s31 =	simm.s32 $0x0;
	[sflag:s22] =	ssyncadd.s32 $0xFFFFE700  }
0x11b: {  	[hbm4b:s8+s31] =	stream.linear.scatter [tilespmem:s23], [sflag:$0x2], $0x1900, $0x38;
	[tilespmem:$0x17700] =	vst v63  }
0x11c: {  	_ =	swait.ge [sflag:s18], $0x6400  }
0x11d: {  	[sflag:s18] =	ssyncset.done $0x0  }
0x11e: {  	s25 =	simm.s32 $0x0;
	[sflag:s18] =	ssyncadd.s32 $0xFFFF9C00  }
0x11f: {  	s26 =	simm.s32 $0x40;
	v10 =	vld [tilespmem:s25+$0x3E80]  }
.LBB2_20:
0x120: {  	p0 =	sne.s32 s26, $0x31C0  }
.Ltmp9:
0x121: {  	_ = 	snop;
	(pc) =	sbr.rel @p0 .LBB2_20-.Ltmp9, $3  }
0x122: {  	_ =	sdelay $0x1  }
0x123: {  	s28 =	sshra.s32 s26, $0x2;
	s26 =	sadd.s32 $0x40, s26;
	v11 =	vshrl.u32 v10, $0x2  }
0x124: {  	v10 =	vld [tilespmem:s28+$0x3E80];
	[tilespmem:s25+$0x7080] =	vst v11;
	s25 =	smov.u32 s28  }
0x125: {  	s26 =	simm.s32 $0x0  }
0x126: {  	v11 =	vadd.s32 s26, v6  }
0x127: {  	v11 =	vand.u32 $0x7FF8, v11  }
0x128: {  	v11 =	vor.u32 v0, v11;
	_ =	sdelay $0x1  }
0x129: {  	v10 =	vshrl.u32 v10, $0x2  }
0x12a: {  	[tilespmem:s25+$0x7080] =	vst v10  }
0x12b: {  	[tilespmem:s20], [sflag:$0x1] =	stream.indirect.gather [hbm4b:s3+s15], $0x8, s19, s15, $0xb8;
	[tilespmem:$0x17700] =	vst v63  }
0x12c: {  	v10 =	vld.idx.msk [tilespmem:v11+s2+$0x0], $0xffff;
	_ =	sdelay $0x3  }
0x12d: {  	v11 =	vmov s26  }
0x12e: {  	v11 =	vshll.u32 v11, $0x3;
	v10 =	vshll.u32 v10, $0x1  }
0x12f: {  	v11 =	vor.u32 v3, v11;
	v10 =	vand.u32 $0x6, v10  }
0x130: {  	v10 =	vor.u32 v11, v10  }
0x131: {  	v10 =	vor.u32 v1, v10;
	_ =	sdelay $0x2  }
0x132: {  	s31 =	simm.s32 $0x8  }
0x133: {  	v11 =	vadd.s32 s31, v6  }
0x134: {  	v11 =	vand.u32 $0x7FF8, v11;
	v10 =	vld.idx.msk [tilespmem:v10+s17+$0x0], $0xffff  }
0x135: {  	v11 =	vor.u32 v0, v11;
	_ =	sdelay $0x2  }
0x136: {  	s25 =	simm.s32 $0x14500  }
0x137: {  	[tilespmem:s25+$0x0] =	vst v10  }
0x138: {  	v10 =	vld.idx.msk [tilespmem:v11+s2+$0x0], $0xffff;
	_ =	sdelay $0x3  }
0x139: {  	v11 =	vmov s31  }
0x13a: {  	v11 =	vshll.u32 v11, $0x3;
	v10 =	vshll.u32 v10, $0x1  }
0x13b: {  	v11 =	vor.u32 v3, v11;
	v10 =	vand.u32 $0x6, v10  }
0x13c: {  	v10 =	vor.u32 v11, v10  }
0x13d: {  	v10 =	vor.u32 v1, v10;
	_ =	sdelay $0x3  }
0x13e: {  	s26 =	simm.s32 $0x10  }
0x13f: {  	s28 =	simm.s32 $0x18;
	v11 =	vadd.s32 s26, v6;
	v10 =	vld.idx.msk [tilespmem:v10+s17+$0x0], $0xffff  }
.LBB2_22:
0x140: {  	p0 =	sne.s32 s28, $0xC78;
	v11 =	vand.u32 $0x7FF8, v11  }
0x141: {  	v11 =	vor.u32 v0, v11;
	_ =	sdelay $0x2  }
0x142: {  	s25 =	sadd.s32 $0x10, s25  }
0x143: {  	[tilespmem:s25+$0x0] =	vst v10  }
0x144: {  	v10 =	vld.idx.msk [tilespmem:v11+s2+$0x0], $0xffff;
	_ =	sdelay $0x4  }
0x145: {  	v11 =	vmov s26;
	s26 =	smov.u32 s28  }
0x146: {  	v11 =	vshll.u32 v11, $0x3;
	v10 =	vshll.u32 v10, $0x1  }
0x147: {  	v11 =	vor.u32 v3, v11;
	v10 =	vand.u32 $0x6, v10  }
0x148: {  	v10 =	vor.u32 v11, v10  }
0x149: {  	v10 =	vor.u32 v1, v10  }
.Ltmp10:
0x14a: {  	(pc) =	sbr.rel @p0 .LBB2_22-.Ltmp10, $2  }
0x14b: {  	_ =	sdelay $0x2  }
0x14c: {  	s28 =	sadd.s32 $0x8, s28;
	v11 =	vadd.s32 s26, v6;
	v10 =	vld.idx.msk [tilespmem:v10+s17+$0x0], $0xffff  }
0x14d: {  	v11 =	vand.u32 $0x7FF8, v11  }
0x14e: {  	v11 =	vor.u32 v0, v11;
	_ =	sdelay $0x2  }
0x14f: {  	s25 =	sadd.s32 $0x10, s25  }
0x150: {  	[tilespmem:s25+$0x0] =	vst v10  }
0x151: {  	v10 =	vld.idx.msk [tilespmem:v11+s2+$0x0], $0xffff;
	_ =	sdelay $0x3  }
0x152: {  	v11 =	vmov s26  }
0x153: {  	v11 =	vshll.u32 v11, $0x3;
	v10 =	vshll.u32 v10, $0x1  }
0x154: {  	v11 =	vor.u32 v3, v11;
	v10 =	vand.u32 $0x6, v10  }
0x155: {  	v10 =	vor.u32 v11, v10  }
0x156: {  	v10 =	vor.u32 v1, v10;
	_ =	sdelay $0x4  }
0x157: {  	v10 =	vld.idx.msk [tilespmem:v10+s17+$0x0], $0xffff;
	_ =	sdelay $0x3  }
0x158: {  	s25 =	sadd.s32 $0x10, s25  }
0x159: {  	[tilespmem:s25+$0x0] =	vst v10  }
0x15a: {  	_ =	swait.ge [sflag:s22], $0x1900  }
0x15b: {  	[sflag:s22] =	ssyncset.done $0x0  }
0x15c: {  	s31 =	simm.s32 $0x0;
	[sflag:s22] =	ssyncadd.s32 $0xFFFFE700  }
0x15d: {  	[hbm4b:s9+s31] =	stream.linear.scatter [tilespmem:s21], [sflag:$0x2], $0x1900, $0x38;
	[tilespmem:$0x17700] =	vst v63  }
0x15e: {  	_ =	swait.ge [sflag:s18], $0x6400  }
0x15f: {  	[sflag:s18] =	ssyncset.done $0x0  }
0x160: {  	s25 =	simm.s32 $0x0;
	[sflag:s18] =	ssyncadd.s32 $0xFFFF9C00  }
0x161: {  	s26 =	simm.s32 $0x40;
	v10 =	vld [tilespmem:s25+$0x4B00]  }
.LBB2_24:
0x162: {  	p0 =	sne.s32 s26, $0x31C0  }
.Ltmp11:
0x163: {  	_ = 	snop;
	(pc) =	sbr.rel @p0 .LBB2_24-.Ltmp11, $3  }
0x164: {  	_ =	sdelay $0x1  }
0x165: {  	s28 =	sshra.s32 s26, $0x2;
	s26 =	sadd.s32 $0x40, s26;
	v11 =	vshrl.u32 v10, $0x2  }
0x166: {  	v10 =	vld [tilespmem:s28+$0x4B00];
	[tilespmem:s25+$0x6400] =	vst v11;
	s25 =	smov.u32 s28  }
0x167: {  	s26 =	simm.s32 $0x0  }
0x168: {  	v11 =	vadd.s32 s26, v7  }
0x169: {  	v11 =	vand.u32 $0x7FF8, v11  }
0x16a: {  	v11 =	vor.u32 v0, v11;
	_ =	sdelay $0x1  }
0x16b: {  	v10 =	vshrl.u32 v10, $0x2  }
0x16c: {  	[tilespmem:s25+$0x6400] =	vst v10  }
0x16d: {  	[tilespmem:s17], [sflag:$0x1] =	stream.indirect.gather [hbm4b:s3+s15], $0x8, s16, s15, $0xb8;
	[tilespmem:$0x17700] =	vst v63  }
0x16e: {  	v10 =	vld.idx.msk [tilespmem:v11+s2+$0x0], $0xffff;
	_ =	sdelay $0x3  }
0x16f: {  	v11 =	vmov s26  }
0x170: {  	v11 =	vshll.u32 v11, $0x3;
	v10 =	vshll.u32 v10, $0x1  }
0x171: {  	v11 =	vor.u32 v3, v11;
	v10 =	vand.u32 $0x6, v10  }
0x172: {  	v10 =	vor.u32 v11, v10  }
0x173: {  	v10 =	vor.u32 v1, v10;
	_ =	sdelay $0x2  }
0x174: {  	s31 =	simm.s32 $0x8  }
0x175: {  	v11 =	vadd.s32 s31, v7  }
0x176: {  	v11 =	vand.u32 $0x7FF8, v11;
	v10 =	vld.idx.msk [tilespmem:v10+s20+$0x0], $0xffff  }
0x177: {  	v11 =	vor.u32 v0, v11;
	_ =	sdelay $0x2  }
0x178: {  	s25 =	simm.s32 $0x15E00  }
0x179: {  	[tilespmem:s25+$0x0] =	vst v10  }
0x17a: {  	v10 =	vld.idx.msk [tilespmem:v11+s2+$0x0], $0xffff;
	_ =	sdelay $0x3  }
0x17b: {  	v11 =	vmov s31  }
0x17c: {  	v11 =	vshll.u32 v11, $0x3;
	v10 =	vshll.u32 v10, $0x1  }
0x17d: {  	v11 =	vor.u32 v3, v11;
	v10 =	vand.u32 $0x6, v10  }
0x17e: {  	v10 =	vor.u32 v11, v10  }
0x17f: {  	v10 =	vor.u32 v1, v10;
	_ =	sdelay $0x3  }
0x180: {  	s26 =	simm.s32 $0x10  }
0x181: {  	s28 =	simm.s32 $0x18;
	v11 =	vadd.s32 s26, v7;
	v10 =	vld.idx.msk [tilespmem:v10+s20+$0x0], $0xffff  }
.LBB2_26:
0x182: {  	p0 =	sne.s32 s28, $0xC78;
	v11 =	vand.u32 $0x7FF8, v11  }
0x183: {  	v11 =	vor.u32 v0, v11;
	_ =	sdelay $0x2  }
0x184: {  	s25 =	sadd.s32 $0x10, s25  }
0x185: {  	[tilespmem:s25+$0x0] =	vst v10  }
0x186: {  	v10 =	vld.idx.msk [tilespmem:v11+s2+$0x0], $0xffff;
	_ =	sdelay $0x4  }
0x187: {  	v11 =	vmov s26;
	s26 =	smov.u32 s28  }
0x188: {  	v11 =	vshll.u32 v11, $0x3;
	v10 =	vshll.u32 v10, $0x1  }
0x189: {  	v11 =	vor.u32 v3, v11;
	v10 =	vand.u32 $0x6, v10  }
0x18a: {  	v10 =	vor.u32 v11, v10  }
0x18b: {  	v10 =	vor.u32 v1, v10  }
.Ltmp12:
0x18c: {  	(pc) =	sbr.rel @p0 .LBB2_26-.Ltmp12, $2  }
0x18d: {  	_ =	sdelay $0x2  }
0x18e: {  	s28 =	sadd.s32 $0x8, s28;
	v11 =	vadd.s32 s26, v7;
	v10 =	vld.idx.msk [tilespmem:v10+s20+$0x0], $0xffff  }
0x18f: {  	v11 =	vand.u32 $0x7FF8, v11  }
0x190: {  	v11 =	vor.u32 v0, v11;
	_ =	sdelay $0x2  }
0x191: {  	s25 =	sadd.s32 $0x10, s25  }
0x192: {  	[tilespmem:s25+$0x0] =	vst v10  }
0x193: {  	v10 =	vld.idx.msk [tilespmem:v11+s2+$0x0], $0xffff;
	_ =	sdelay $0x3  }
0x194: {  	v11 =	vmov s26  }
0x195: {  	v11 =	vshll.u32 v11, $0x3;
	v10 =	vshll.u32 v10, $0x1  }
0x196: {  	v11 =	vor.u32 v3, v11;
	v10 =	vand.u32 $0x6, v10  }
0x197: {  	v10 =	vor.u32 v11, v10  }
0x198: {  	v10 =	vor.u32 v1, v10;
	_ =	sdelay $0x4  }
0x199: {  	v10 =	vld.idx.msk [tilespmem:v10+s20+$0x0], $0xffff;
	_ =	sdelay $0x3  }
0x19a: {  	s25 =	sadd.s32 $0x10, s25  }
0x19b: {  	[tilespmem:s25+$0x0] =	vst v10  }
0x19c: {  	_ =	swait.ge [sflag:s22], $0x1900  }
0x19d: {  	[sflag:s22] =	ssyncset.done $0x0  }
0x19e: {  	s31 =	simm.s32 $0x0;
	[sflag:s22] =	ssyncadd.s32 $0xFFFFE700  }
0x19f: {  	[hbm4b:s10+s31] =	stream.linear.scatter [tilespmem:s23], [sflag:$0x2], $0x1900, $0x38;
	[tilespmem:$0x17700] =	vst v63  }
0x1a0: {  	_ =	swait.ge [sflag:s18], $0x6400  }
0x1a1: {  	[sflag:s18] =	ssyncset.done $0x0  }
0x1a2: {  	s25 =	simm.s32 $0x0;
	[sflag:s18] =	ssyncadd.s32 $0xFFFF9C00  }
0x1a3: {  	s26 =	simm.s32 $0x40;
	v10 =	vld [tilespmem:s25+$0x5780]  }
.LBB2_28:
0x1a4: {  	p0 =	sne.s32 s26, $0x31C0  }
.Ltmp13:
0x1a5: {  	_ = 	snop;
	(pc) =	sbr.rel @p0 .LBB2_28-.Ltmp13, $3  }
0x1a6: {  	_ =	sdelay $0x1  }
0x1a7: {  	s28 =	sshra.s32 s26, $0x2;
	s26 =	sadd.s32 $0x40, s26;
	v11 =	vshrl.u32 v10, $0x2  }
0x1a8: {  	v10 =	vld [tilespmem:s28+$0x5780];
	[tilespmem:s25+$0x7080] =	vst v11;
	s25 =	smov.u32 s28  }
0x1a9: {  	s26 =	simm.s32 $0x0  }
0x1aa: {  	v11 =	vadd.s32 s26, v8  }
0x1ab: {  	v11 =	vand.u32 $0x5FF8, v11  }
0x1ac: {  	v11 =	vor.u32 v0, v11;
	_ =	sdelay $0x1  }
0x1ad: {  	v10 =	vshrl.u32 v10, $0x2  }
0x1ae: {  	[tilespmem:s25+$0x7080] =	vst v10  }
0x1af: {  	[tilespmem:s20], [sflag:$0x1] =	stream.indirect.gather [hbm4b:s3+s15], $0x8, s19, s15, $0xb8;
	[tilespmem:$0x17700] =	vst v63  }
0x1b0: {  	v10 =	vld.idx.msk [tilespmem:v11+s2+$0x0], $0xffff;
	_ =	sdelay $0x3  }
0x1b1: {  	v11 =	vmov s26  }
0x1b2: {  	v11 =	vshll.u32 v11, $0x3;
	v10 =	vshll.u32 v10, $0x1  }
0x1b3: {  	v11 =	vor.u32 v3, v11;
	v10 =	vand.u32 $0x6, v10  }
0x1b4: {  	v10 =	vor.u32 v11, v10  }
0x1b5: {  	v10 =	vor.u32 v1, v10;
	_ =	sdelay $0x2  }
0x1b6: {  	s31 =	simm.s32 $0x8  }
0x1b7: {  	v11 =	vadd.s32 s31, v8  }
0x1b8: {  	v11 =	vand.u32 $0x5FF8, v11;
	v10 =	vld.idx.msk [tilespmem:v10+s17+$0x0], $0xffff  }
0x1b9: {  	v11 =	vor.u32 v0, v11;
	_ =	sdelay $0x2  }
0x1ba: {  	s25 =	simm.s32 $0x14500  }
0x1bb: {  	[tilespmem:s25+$0x0] =	vst v10  }
0x1bc: {  	v10 =	vld.idx.msk [tilespmem:v11+s2+$0x0], $0xffff;
	_ =	sdelay $0x3  }
0x1bd: {  	v11 =	vmov s31  }
0x1be: {  	v11 =	vshll.u32 v11, $0x3;
	v10 =	vshll.u32 v10, $0x1  }
0x1bf: {  	v11 =	vor.u32 v3, v11;
	v10 =	vand.u32 $0x6, v10  }
0x1c0: {  	v10 =	vor.u32 v11, v10  }
0x1c1: {  	v10 =	vor.u32 v1, v10;
	_ =	sdelay $0x3  }
0x1c2: {  	s26 =	simm.s32 $0x10  }
0x1c3: {  	s28 =	simm.s32 $0x18;
	v11 =	vadd.s32 s26, v8;
	v10 =	vld.idx.msk [tilespmem:v10+s17+$0x0], $0xffff  }
.LBB2_30:
0x1c4: {  	p0 =	sne.s32 s28, $0xC78;
	v11 =	vand.u32 $0x5FF8, v11  }
0x1c5: {  	v11 =	vor.u32 v0, v11;
	_ =	sdelay $0x2  }
0x1c6: {  	s25 =	sadd.s32 $0x10, s25  }
0x1c7: {  	[tilespmem:s25+$0x0] =	vst v10  }
0x1c8: {  	v10 =	vld.idx.msk [tilespmem:v11+s2+$0x0], $0xffff;
	_ =	sdelay $0x4  }
0x1c9: {  	v11 =	vmov s26;
	s26 =	smov.u32 s28  }
0x1ca: {  	v11 =	vshll.u32 v11, $0x3;
	v10 =	vshll.u32 v10, $0x1  }
0x1cb: {  	v11 =	vor.u32 v3, v11;
	v10 =	vand.u32 $0x6, v10  }
0x1cc: {  	v10 =	vor.u32 v11, v10  }
0x1cd: {  	v10 =	vor.u32 v1, v10  }
.Ltmp14:
0x1ce: {  	(pc) =	sbr.rel @p0 .LBB2_30-.Ltmp14, $2  }
0x1cf: {  	_ =	sdelay $0x2  }
0x1d0: {  	s28 =	sadd.s32 $0x8, s28;
	v11 =	vadd.s32 s26, v8;
	v10 =	vld.idx.msk [tilespmem:v10+s17+$0x0], $0xffff  }
0x1d1: {  	v11 =	vand.u32 $0x5FF8, v11  }
0x1d2: {  	v11 =	vor.u32 v0, v11;
	_ =	sdelay $0x2  }
0x1d3: {  	s25 =	sadd.s32 $0x10, s25  }
0x1d4: {  	[tilespmem:s25+$0x0] =	vst v10  }
0x1d5: {  	v10 =	vld.idx.msk [tilespmem:v11+s2+$0x0], $0xffff;
	_ =	sdelay $0x3  }
0x1d6: {  	v11 =	vmov s26  }
0x1d7: {  	v11 =	vshll.u32 v11, $0x3;
	v10 =	vshll.u32 v10, $0x1  }
0x1d8: {  	v11 =	vor.u32 v3, v11;
	v10 =	vand.u32 $0x6, v10  }
0x1d9: {  	v10 =	vor.u32 v11, v10  }
0x1da: {  	v10 =	vor.u32 v1, v10;
	_ =	sdelay $0x4  }
0x1db: {  	v10 =	vld.idx.msk [tilespmem:v10+s17+$0x0], $0xffff;
	_ =	sdelay $0x3  }
0x1dc: {  	s25 =	sadd.s32 $0x10, s25  }
0x1dd: {  	s30 =	simm.s32 $0x0;
	[tilespmem:s25+$0x0] =	vst v10  }
0x1de: {  	v10 =	vadd.s32 s30, v9;
	_ =	swait.ge [sflag:s22], $0x1900  }
0x1df: {  	v10 =	vand.u32 $0x7FF8, v10;
	[sflag:s22] =	ssyncset.done $0x0  }
0x1e0: {  	v10 =	vor.u32 v0, v10;
	[sflag:s22] =	ssyncadd.s32 $0xFFFFE700  }
0x1e1: {  	[hbm4b:s11+s30] =	stream.linear.scatter [tilespmem:s21], [sflag:$0x2], $0x1900, $0x38;
	[tilespmem:$0x17700] =	vst v63  }
0x1e2: {  	_ =	swait.ge [sflag:s18], $0x6400  }
0x1e3: {  	[sflag:s18] =	ssyncset.done $0x0  }
0x1e4: {  	[sflag:s18] =	ssyncadd.s32 $0xFFFF9C00  }
0x1e5: {  	v10 =	vld.idx.msk [tilespmem:v10+s2+$0x0], $0xffff;
	_ =	sdelay $0x3  }
0x1e6: {  	v11 =	vmov s30  }
0x1e7: {  	v11 =	vshll.u32 v11, $0x3;
	v10 =	vshll.u32 v10, $0x1  }
0x1e8: {  	v11 =	vor.u32 v3, v11;
	v10 =	vand.u32 $0x6, v10  }
0x1e9: {  	v10 =	vor.u32 v11, v10  }
0x1ea: {  	v10 =	vor.u32 v1, v10;
	_ =	sdelay $0x2  }
0x1eb: {  	s31 =	simm.s32 $0x8  }
0x1ec: {  	v11 =	vadd.s32 s31, v9  }
0x1ed: {  	v11 =	vand.u32 $0x7FF8, v11;
	v10 =	vld.idx.msk [tilespmem:v10+s20+$0x0], $0xffff  }
0x1ee: {  	v11 =	vor.u32 v0, v11;
	_ =	sdelay $0x2  }
0x1ef: {  	s25 =	simm.s32 $0x15E00  }
0x1f0: {  	[tilespmem:s25+$0x0] =	vst v10  }
0x1f1: {  	v10 =	vld.idx.msk [tilespmem:v11+s2+$0x0], $0xffff;
	_ =	sdelay $0x3  }
0x1f2: {  	v11 =	vmov s31  }
0x1f3: {  	v11 =	vshll.u32 v11, $0x3;
	v10 =	vshll.u32 v10, $0x1  }
0x1f4: {  	v11 =	vor.u32 v3, v11;
	v10 =	vand.u32 $0x6, v10  }
0x1f5: {  	v10 =	vor.u32 v11, v10  }
0x1f6: {  	v10 =	vor.u32 v1, v10;
	_ =	sdelay $0x3  }
0x1f7: {  	s26 =	simm.s32 $0x10  }
0x1f8: {  	s28 =	simm.s32 $0x18;
	v11 =	vadd.s32 s26, v9;
	v10 =	vld.idx.msk [tilespmem:v10+s20+$0x0], $0xffff  }
.LBB2_32:
0x1f9: {  	p0 =	sne.s32 s28, $0xC78;
	v11 =	vand.u32 $0x7FF8, v11  }
0x1fa: {  	v11 =	vor.u32 v0, v11;
	_ =	sdelay $0x2  }
0x1fb: {  	s25 =	sadd.s32 $0x10, s25  }
0x1fc: {  	[tilespmem:s25+$0x0] =	vst v10  }
0x1fd: {  	v10 =	vld.idx.msk [tilespmem:v11+s2+$0x0], $0xffff;
	_ =	sdelay $0x4  }
0x1fe: {  	v11 =	vmov s26;
	s26 =	smov.u32 s28  }
0x1ff: {  	v11 =	vshll.u32 v11, $0x3;
	v10 =	vshll.u32 v10, $0x1  }
0x200: {  	v11 =	vor.u32 v3, v11;
	v10 =	vand.u32 $0x6, v10  }
0x201: {  	v10 =	vor.u32 v11, v10  }
0x202: {  	v10 =	vor.u32 v1, v10  }
.Ltmp15:
0x203: {  	(pc) =	sbr.rel @p0 .LBB2_32-.Ltmp15, $2  }
0x204: {  	_ =	sdelay $0x2  }
0x205: {  	s28 =	sadd.s32 $0x8, s28;
	v11 =	vadd.s32 s26, v9;
	v10 =	vld.idx.msk [tilespmem:v10+s20+$0x0], $0xffff  }
0x206: {  	v11 =	vand.u32 $0x7FF8, v11  }
0x207: {  	v11 =	vor.u32 v0, v11;
	_ =	sdelay $0x2  }
0x208: {  	s25 =	sadd.s32 $0x10, s25  }
0x209: {  	[tilespmem:s25+$0x0] =	vst v10  }
0x20a: {  	v10 =	vld.idx.msk [tilespmem:v11+s2+$0x0], $0xffff;
	_ =	sdelay $0x3  }
0x20b: {  	v11 =	vmov s26  }
0x20c: {  	v11 =	vshll.u32 v11, $0x3;
	v10 =	vshll.u32 v10, $0x1  }
0x20d: {  	v11 =	vor.u32 v3, v11;
	v10 =	vand.u32 $0x6, v10  }
0x20e: {  	v10 =	vor.u32 v11, v10  }
0x20f: {  	v10 =	vor.u32 v1, v10;
	_ =	sdelay $0x4  }
0x210: {  	v10 =	vld.idx.msk [tilespmem:v10+s20+$0x0], $0xffff;
	_ =	sdelay $0x3  }
0x211: {  	s25 =	sadd.s32 $0x10, s25  }
0x212: {  	[tilespmem:s25+$0x0] =	vst v10  }
0x213: {  	s24 =	sadd.s32 $0x1, s24;
	_ =	swait.ge [sflag:s22], $0x1900  }
0x214: {  	p0 =	sne.s32 s24, s13;
	[sflag:s22] =	ssyncset.done $0x0  }
.Ltmp16:
0x215: {  	[sflag:s22] =	ssyncadd.s32 $0xFFFFE700;
	(pc) =	sbr.rel @p0 .LBB2_1-.Ltmp16, $4  }
0x216: {  	[hbm4b:s12+s2] =	stream.linear.scatter [tilespmem:s23], [sflag:$0x3], $0x1900, $0x38;
	[tilespmem:$0x17700] =	vst v63  }
0x217: {  	_ =	swait.ge [sflag:s14], $0x1900  }
0x218: {  	[sflag:s14] =	ssyncset.done $0x0  }
0x219: {  	[sflag:s14] =	ssyncadd.s32 $0xFFFFE700  }
0x21a: {  	_ =	sfence.sel $0x180000  }
0x21b: {  	[bflag:$0x0] =	sbarrier.arrive $0xFFFF  }
0x21c: {  	p0 =	sne.s32 s1, $0x0;
	_ =	strace $0x90000047  }
0x21d: {  	s0 =	sadd.s32 @!p0 $0x100000, s0;
	[bflag:$0x2] =	sbarrier.arrive $0xFFFF  }
0x21e: {  	[sflag:s0] =	ssyncadd.tile.s32 @!p0 $0x1;
	_ =	shalt  }
.Lfunc_end2:
_tile_overlayer_lowered:
.L_overlay_start_2:
0x21f: {  	(tag) =	ssettag $0x2  }
0x220: {  	s0 =	rddreg [dreg:$0x0];
	s2 =	stileid.u32  }
0x221: {  	s1 =	rddreg [dreg:$0x1];
	p0 =	sne.s32 s2, $0x0  }
0x222: {  	s3 =	rddreg [dreg:$0x2];
	[bflag:$0x3] =	sbarrier.arrive $0xFFFF;
	s2 =	simm.s32 @!p0 $0x1C03  }
0x223: {  	[timem:s3], [sflag:s2] =	dma.local @!p0 [hbm:s0], s1  }
0x224: {  	s0 =	simm.s32 @!p0 $0x3  }
0x225: {  	_ =	swait.ge @!p0 [sflag:s0], s1  }
0x226: {  	s1 =	ssub.s32 @!p0 $0x0, s1;
	[sflag:s0] =	ssyncset.done @!p0 $0x0  }
0x227: {  	[sflag:s0] =	ssyncadd.s32 @!p0 s1  }
0x228: {  	[bflag:$0x3] =	sbarrier.arrive $0xFFFF  }
0x229: {  	_ =	shalt  }

</sc_bundles>
